<compile_context>
chip_gen: v7x
topology: tpu7x:2x2x1
jax: 0.10.2.dev20260603
libtpu: 0.0.44.dev20260713+nightly
codegen_flags: <defaults>
</compile_context>

<pallas_src>
import numpy as np
import jax
import jax.numpy as jnp
from jax import lax
from jax.experimental import pallas as pl
from jax.experimental.pallas import tpu as pltpu
from jax.experimental.pallas import tpu_sc as plsc

_B = 4
_V = 20170
_EMB = 64
_N = _B * _V
_NF = 10
_TDIM = 64

_NC = 2
_NS = 16
_NW = _NC * _NS
_CH = 128
_NCH = 20
_RPW = _CH * _NCH
_NPAD = _NW * _RPW

_R = 40
_GRID = _N // _R


def _sc_gather_body(idx_l, idx_r, tab_l, tab_r, out_l, out_r,
                    idxl_v, idxr_v, rows_l, rows_r, sem_l, sem_r):
    wid = lax.axis_index("s") * _NC + lax.axis_index("c")
    base = wid * _RPW
    pltpu.sync_copy(idx_l.at[wid], idxl_v)
    pltpu.sync_copy(idx_r.at[wid], idxr_v)

    def chunk(j, carry):
        cl = pltpu.async_copy(tab_l.at[idxl_v.at[j]], rows_l, sem_l)
        cr = pltpu.async_copy(tab_r.at[idxr_v.at[j]], rows_r, sem_r)
        cl.wait()
        pltpu.sync_copy(rows_l, out_l.at[pl.ds(base + j * _CH, _CH)])
        cr.wait()
        pltpu.sync_copy(rows_r, out_r.at[pl.ds(base + j * _CH, _CH)])
        return carry

    lax.fori_loop(0, _NCH, chunk, 0)


def _make_sc_gather():
    return pl.kernel(
        _sc_gather_body,
        out_type=(
            jax.ShapeDtypeStruct((_NPAD, _EMB), jnp.float32),
            jax.ShapeDtypeStruct((_NPAD, _EMB), jnp.float32),
        ),
        mesh=plsc.VectorSubcoreMesh(core_axis_name="c", subcore_axis_name="s"),
        scratch_types=(
            pltpu.VMEM((_NCH, _CH), jnp.int32),
            pltpu.VMEM((_NCH, _CH), jnp.int32),
            pltpu.VMEM((_CH, _EMB), jnp.float32),
            pltpu.VMEM((_CH, _EMB), jnp.float32),
            pltpu.SemaphoreType.DMA,
            pltpu.SemaphoreType.DMA,
        ),
        compiler_params=pltpu.CompilerParams(use_tc_tiling_on_sc=False),
    )


def _pe_tables():
    f = np.zeros(63, np.float32)
    ax = np.zeros(63, np.int64)
    raw = np.zeros(63, bool)
    is_sin = np.zeros(63, bool)
    for c in range(3):
        f[c], ax[c], raw[c] = 1.0, c, True
    for k in range(60):
        c = 3 + k
        j, m = k // 6, k % 6
        ax[c] = m % 3
        f[c] = np.float32(2.0 ** j)
        is_sin[c] = m < 3
    sel_l = [np.where((ax == i) & np.ones(63, bool), f, 0.0) for i in range(3)]
    sl = np.zeros((3, 126), np.float32)
    sr = np.zeros((3, 126), np.float32)
    for i in range(3):
        sl[i, :63] = sel_l[i]
        sr[i, 63:] = sel_l[i]
    raw2 = np.concatenate([raw, raw])
    sin2 = np.concatenate([is_sin, is_sin])
    return sl, sr, raw2, sin2


_SL_np, _SR_np, _RAW_np, _SIN_np = _pe_tables()
_PC_np = np.concatenate(
    [_SL_np, _SR_np,
     _RAW_np.astype(np.float32).reshape(1, 126),
     _SIN_np.astype(np.float32).reshape(1, 126)], axis=0)
_TEF_np = np.exp(np.arange(_TDIM // 2, dtype=np.float32)
                 * (-np.log(10000.0) / (_TDIM // 2 - 1))).reshape(1, -1)


def _tc_body(emb_l_ref, emb_r_ref, g_ref, t_ref, wb_ref, pc_ref, tef_ref,
             out_ref, temb_ref):
    w = wb_ref[0:1, :]
    bvec = wb_ref[1:2, :]
    out_ref[:, 0:64] = emb_l_ref[...]
    out_ref[:, 64:128] = g_ref[:, 0:1] * w + bvec
    out_ref[:, 128:192] = emb_r_ref[...]
    out_ref[:, 192:256] = g_ref[:, 4:5] * w + bvec

    raw = pc_ref[6:7, :] > 0.5
    sinm = pc_ref[7:8, :] > 0.5
    a = (g_ref[:, 1:2] * pc_ref[0:1, :] + g_ref[:, 2:3] * pc_ref[1:2, :]
         + g_ref[:, 3:4] * pc_ref[2:3, :]
         + g_ref[:, 5:6] * pc_ref[3:4, :] + g_ref[:, 6:7] * pc_ref[4:5, :]
         + g_ref[:, 7:8] * pc_ref[5:6, :])
    out_ref[:, 256:382] = jnp.where(raw, a,
                                    jnp.where(sinm, jnp.sin(a), jnp.cos(a)))

    @pl.when(pl.program_id(0) == 0)
    def _():
        te = t_ref[...] * tef_ref[...]
        temb_ref[:, 0:32] = jnp.sin(te)
        temb_ref[:, 32:64] = jnp.cos(te)


_tc_assemble = pl.pallas_call(
    _tc_body,
    grid=(_GRID,),
    in_specs=[
        pl.BlockSpec((_R, _EMB), lambda i: (i, 0)),
        pl.BlockSpec((_R, _EMB), lambda i: (i, 0)),
        pl.BlockSpec((_R, 8), lambda i: (i, 0)),
        pl.BlockSpec((_B, 1), lambda i: (0, 0)),
        pl.BlockSpec((2, 64), lambda i: (0, 0)),
        pl.BlockSpec((8, 126), lambda i: (0, 0)),
        pl.BlockSpec((1, 32), lambda i: (0, 0)),
    ],
    out_specs=[
        pl.BlockSpec((_R, 382), lambda i: (i, 0)),
        pl.BlockSpec((_B, _TDIM), lambda i: (0, 0)),
    ],
    out_shape=[
        jax.ShapeDtypeStruct((_N, 382), jnp.float32),
        jax.ShapeDtypeStruct((_B, _TDIM), jnp.float32),
    ],
)


def kernel(idx_left, idx_right, gripper_open_left, gripper_open_right,
           gripper_pos_left, gripper_pos_right, t,
           table_left, table_right, W_proj, b_proj):
    idx_l = jnp.pad(idx_left.reshape(_N), (0, _NPAD - _N)).reshape(_NW, _NCH, _CH)
    idx_r = jnp.pad(idx_right.reshape(_N), (0, _NPAD - _N)).reshape(_NW, _NCH, _CH)
    emb_l, emb_r = _make_sc_gather()(idx_l, idx_r, table_left, table_right)

    g = jnp.concatenate(
        [gripper_open_left, gripper_pos_left,
         gripper_open_right, gripper_pos_right], axis=-1).reshape(_N, 8)
    t_f = t.astype(jnp.float32).reshape(_B, 1)
    wb = jnp.concatenate([W_proj.reshape(1, _EMB), b_proj.reshape(1, _EMB)], 0)

    out_flat, temb = _tc_assemble(emb_l, emb_r, g, t_f, wb,
                                  jnp.asarray(_PC_np), jnp.asarray(_TEF_np))
    return out_flat.reshape(_B, _V, 382), temb

# --- scband reference (transcript-rebuilt; emitter-appended) ---
"""Pipeline reference for scband-bimanual-graph-rep-3599182594372 (READ-ONLY COPY).

The authoritative reference and input builder live on the scoring server;
editing this copy changes nothing except your own understanding.
"""

import jax, jax.numpy as jnp
import numpy as np

# Derived from BimanualGraphRep config:
# num_demos=10, traj_horizon=200, num_g_nodes=10 (gripper_keypoints), pred_horizon=16
# vocab V = 10*200*10 + 10*(16+1) = 20170 embeddings per arm
# embd_dim=128, g_state_dim=64 -> embedding row dim = 128-64 = 64
B = 4
V = 20170
EMB = 64
NF = 10
TDIM = 64


def pos_encode(x):
    # PositionalEncoder(d_input=3, n_freqs=10, log_space=True, add_original=True, scale=1.0)
    freqs = 2.0 ** np.arange(NF, dtype=np.float32)
    enc = [x]
    for f in freqs:
        enc.append(jnp.sin(x * f))
        enc.append(jnp.cos(x * f))
    return jnp.concatenate(enc, axis=-1)  # [..., 3*(2*10)+3] = [..., 63]


def time_emb(t):
    # SinusoidalTimeEmb(dim=64)
    half = TDIM // 2
    emb = jnp.exp(jnp.arange(half, dtype=jnp.float32) * (-jnp.log(10000.0) / (half - 1)))
    te = t.astype(jnp.float32)[:, None] * emb[None, :]
    return jnp.concatenate([jnp.sin(te), jnp.cos(te)], axis=-1)


def setup_inputs(seed: int = 0) -> dict:
    key = jax.random.key(seed)
    ks = jax.random.split(key, 12)
    idx_left = jax.random.randint(ks[0], (B, V), 0, V)
    idx_right = jax.random.randint(ks[1], (B, V), 0, V)
    gripper_open_left = jax.random.uniform(ks[2], (B, V, 1), dtype=jnp.float32)
    gripper_open_right = jax.random.uniform(ks[3], (B, V, 1), dtype=jnp.float32)
    gripper_pos_left = jax.random.normal(ks[4], (B, V, 3), dtype=jnp.float32)
    gripper_pos_right = jax.random.normal(ks[5], (B, V, 3), dtype=jnp.float32)
    t = jax.random.randint(ks[6], (B,), 0, 100)
    # learned parameters
    table_left = jax.random.normal(ks[7], (V, EMB), dtype=jnp.float32)
    table_right = jax.random.normal(ks[8], (V, EMB), dtype=jnp.float32)
    W_proj = jax.random.normal(ks[9], (64, 1), dtype=jnp.float32) * 0.1  # nn.Linear(1, 64)
    b_proj = jnp.zeros((64,), dtype=jnp.float32)
    return {
        'idx_left': idx_left, 'idx_right': idx_right,
        'gripper_open_left': gripper_open_left, 'gripper_open_right': gripper_open_right,
        'gripper_pos_left': gripper_pos_left, 'gripper_pos_right': gripper_pos_right,
        't': t,
        'table_left': table_left, 'table_right': table_right,
        'W_proj': W_proj, 'b_proj': b_proj,
    }


def reference(idx_left, idx_right, gripper_open_left, gripper_open_right,
              gripper_pos_left, gripper_pos_right, t,
              table_left, table_right, W_proj, b_proj):
    # Embedding gathers (the memory-bound core: gripper_embds_left/right lookups)
    emb_l = jnp.take(table_left, idx_left, axis=0)    # [B, V, 64]
    emb_r = jnp.take(table_right, idx_right, axis=0)  # [B, V, 64]
    # gripper state projection: nn.Linear(1, 64)
    state_l = gripper_open_left @ W_proj.T + b_proj   # [B, V, 64]
    state_r = gripper_open_right @ W_proj.T + b_proj  # [B, V, 64]
    node_l = jnp.concatenate([emb_l, state_l], axis=-1)  # [B, V, 128]
    node_r = jnp.concatenate([emb_r, state_r], axis=-1)  # [B, V, 128]
    # positional encodings of node 3D positions
    pe_l = pos_encode(gripper_pos_left)   # [B, V, 63]
    pe_r = pos_encode(gripper_pos_right)  # [B, V, 63]
    temb = time_emb(t)  # [B, 64]
    out = jnp.concatenate([node_l, node_r, pe_l, pe_r], axis=-1)  # [B, V, 382]
    return (out, temb)

if __name__ == "__main__":
    import jax
    _d = setup_inputs()
    print(jax.jit(kernel)(*tuple(_d.values())))

</pallas_src>

<mosaic_0001>
#map = affine_map<(d0, d1) -> (0, 0, 0)>
#map1 = affine_map<(d0, d1) -> (0, 0)>
module attributes {stable_mosaic.version = 14 : i64} {
  func.func @_sc_gather_body(%arg0: i32, %arg1: i32, %arg2: memref<32x20x128xi32, #tpu.memory_space<hbm>>, %arg3: memref<32x20x128xi32, #tpu.memory_space<hbm>>, %arg4: memref<20170x64xf32, #tpu.memory_space<hbm>>, %arg5: memref<20170x64xf32, #tpu.memory_space<hbm>>, %arg6: memref<81920x64xf32, #tpu.memory_space<hbm>>, %arg7: memref<81920x64xf32, #tpu.memory_space<hbm>>, %arg8: memref<20x128xi32, #tpu.memory_space<vmem>>, %arg9: memref<20x128xi32, #tpu.memory_space<vmem>>, %arg10: memref<128x64xf32, #tpu.memory_space<vmem>>, %arg11: memref<128x64xf32, #tpu.memory_space<vmem>>, %arg12: memref<!tpu.dma_semaphore, #tpu.memory_space<semaphore_mem>>, %arg13: memref<!tpu.dma_semaphore, #tpu.memory_space<semaphore_mem>>) attributes {dimension_semantics = [#tpu.dimension_semantics<core_parallel>, #tpu.dimension_semantics<subcore_parallel>], iteration_bounds = array<i64: 2, 16>, scalar_prefetch = 0 : i64, scratch_operands = 6 : i64, tpu.core_type = #tpu.core_type<sc_vector_subcore>, window_params = [{transform_indices = #map}, {transform_indices = #map}, {transform_indices = #map1}, {transform_indices = #map1}, {transform_indices = #map1}, {transform_indices = #map1}]} {
    %mul3A = arith.constant 2 : i32
    %mul3A_0 = arith.muli %arg1, %mul3A : i32
    %add3A = arith.addi %mul3A_0, %arg0 : i32
    %mul3A_1 = arith.constant 2560 : i32
    %mul3A_2 = arith.muli %add3A, %mul3A_1 : i32
    "tpu.region"() ({
      %run_scoped3A = tpu.sem_alloc : memref<!tpu.dma_semaphore, #tpu.memory_space<semaphore_mem>>
      %dma_start3A = arith.constant 0 : i32
      %dma_start3A_8 = arith.constant 0 : i32
      %dma_start3A_9 = tpu.memref_slice %arg2[%add3A, %dma_start3A, %dma_start3A_8] : memref<32x20x128xi32, #tpu.memory_space<hbm>> -> memref<1x20x128xi32, #tpu.memory_space<hbm>>
      %dma_start3A_10 = tpu.memref_squeeze %dma_start3A_9 : memref<1x20x128xi32, #tpu.memory_space<hbm>> -> memref<20x128xi32, #tpu.memory_space<hbm>>
      %dma_start3A_11 = arith.constant 0 : i32
      %dma_start3A_12 = arith.constant 0 : i32
      %dma_start3A_13 = tpu.memref_slice %arg2[%add3A, %dma_start3A_11, %dma_start3A_12] : memref<32x20x128xi32, #tpu.memory_space<hbm>> -> memref<1x20x128xi32, #tpu.memory_space<hbm>>
      %dma_start3A_14 = tpu.memref_squeeze %dma_start3A_13 : memref<1x20x128xi32, #tpu.memory_space<hbm>> -> memref<20x128xi32, #tpu.memory_space<hbm>>
      tpu.enqueue_dma source(%dma_start3A_14 : memref<20x128xi32, #tpu.memory_space<hbm>>) target(%arg8 : memref<20x128xi32, #tpu.memory_space<vmem>>) target_semaphore(%run_scoped3A : memref<!tpu.dma_semaphore, #tpu.memory_space<semaphore_mem>>)
      %dma_wait3A = arith.constant 0 : i32
      %dma_wait3A_15 = arith.constant 0 : i32
      %dma_wait3A_16 = tpu.memref_slice %arg2[%add3A, %dma_wait3A, %dma_wait3A_15] : memref<32x20x128xi32, #tpu.memory_space<hbm>> -> memref<1x20x128xi32, #tpu.memory_space<hbm>>
      %dma_wait3A_17 = tpu.memref_squeeze %dma_wait3A_16 : memref<1x20x128xi32, #tpu.memory_space<hbm>> -> memref<20x128xi32, #tpu.memory_space<hbm>>
      %dma_wait3A_18 = arith.constant 0 : i32
      %dma_wait3A_19 = arith.constant 0 : i32
      %dma_wait3A_20 = tpu.memref_slice %arg2[%add3A, %dma_wait3A_18, %dma_wait3A_19] : memref<32x20x128xi32, #tpu.memory_space<hbm>> -> memref<1x20x128xi32, #tpu.memory_space<hbm>>
      %dma_wait3A_21 = tpu.memref_squeeze %dma_wait3A_20 : memref<1x20x128xi32, #tpu.memory_space<hbm>> -> memref<20x128xi32, #tpu.memory_space<hbm>>
      tpu.wait_dma2 semaphore(%run_scoped3A : memref<!tpu.dma_semaphore, #tpu.memory_space<semaphore_mem>>) src(%dma_wait3A_21 : memref<20x128xi32, #tpu.memory_space<hbm>>) dst(%arg8 : memref<20x128xi32, #tpu.memory_space<vmem>>)
      tpu.yield
    }) : () -> ()
    "tpu.region"() ({
      %run_scoped3A = tpu.sem_alloc : memref<!tpu.dma_semaphore, #tpu.memory_space<semaphore_mem>>
      %dma_start3A = arith.constant 0 : i32
      %dma_start3A_8 = arith.constant 0 : i32
      %dma_start3A_9 = tpu.memref_slice %arg3[%add3A, %dma_start3A, %dma_start3A_8] : memref<32x20x128xi32, #tpu.memory_space<hbm>> -> memref<1x20x128xi32, #tpu.memory_space<hbm>>
      %dma_start3A_10 = tpu.memref_squeeze %dma_start3A_9 : memref<1x20x128xi32, #tpu.memory_space<hbm>> -> memref<20x128xi32, #tpu.memory_space<hbm>>
      %dma_start3A_11 = arith.constant 0 : i32
      %dma_start3A_12 = arith.constant 0 : i32
      %dma_start3A_13 = tpu.memref_slice %arg3[%add3A, %dma_start3A_11, %dma_start3A_12] : memref<32x20x128xi32, #tpu.memory_space<hbm>> -> memref<1x20x128xi32, #tpu.memory_space<hbm>>
      %dma_start3A_14 = tpu.memref_squeeze %dma_start3A_13 : memref<1x20x128xi32, #tpu.memory_space<hbm>> -> memref<20x128xi32, #tpu.memory_space<hbm>>
      tpu.enqueue_dma source(%dma_start3A_14 : memref<20x128xi32, #tpu.memory_space<hbm>>) target(%arg9 : memref<20x128xi32, #tpu.memory_space<vmem>>) target_semaphore(%run_scoped3A : memref<!tpu.dma_semaphore, #tpu.memory_space<semaphore_mem>>)
      %dma_wait3A = arith.constant 0 : i32
      %dma_wait3A_15 = arith.constant 0 : i32
      %dma_wait3A_16 = tpu.memref_slice %arg3[%add3A, %dma_wait3A, %dma_wait3A_15] : memref<32x20x128xi32, #tpu.memory_space<hbm>> -> memref<1x20x128xi32, #tpu.memory_space<hbm>>
      %dma_wait3A_17 = tpu.memref_squeeze %dma_wait3A_16 : memref<1x20x128xi32, #tpu.memory_space<hbm>> -> memref<20x128xi32, #tpu.memory_space<hbm>>
      %dma_wait3A_18 = arith.constant 0 : i32
      %dma_wait3A_19 = arith.constant 0 : i32
      %dma_wait3A_20 = tpu.memref_slice %arg3[%add3A, %dma_wait3A_18, %dma_wait3A_19] : memref<32x20x128xi32, #tpu.memory_space<hbm>> -> memref<1x20x128xi32, #tpu.memory_space<hbm>>
      %dma_wait3A_21 = tpu.memref_squeeze %dma_wait3A_20 : memref<1x20x128xi32, #tpu.memory_space<hbm>> -> memref<20x128xi32, #tpu.memory_space<hbm>>
      tpu.wait_dma2 semaphore(%run_scoped3A : memref<!tpu.dma_semaphore, #tpu.memory_space<semaphore_mem>>) src(%dma_wait3A_21 : memref<20x128xi32, #tpu.memory_space<hbm>>) dst(%arg9 : memref<20x128xi32, #tpu.memory_space<vmem>>)
      tpu.yield
    }) : () -> ()
    %scan3A = arith.constant 0 : i32
    %scan3A_3 = arith.constant 0 : i32
    %scan3A_4 = arith.constant 20 : i32
    %scan3A_5 = arith.addi %scan3A_3, %scan3A_4 : i32
    %scan3A_6 = arith.constant 1 : i32
    scf.for %scan3A_8 = %scan3A_3 to %scan3A_5 step %scan3A_6  : i32 {
      %dma_start3A = arith.constant 0 : i32
      %dma_start3A_9 = tpu.memref_slice %arg8[%scan3A_8, %dma_start3A] : memref<20x128xi32, #tpu.memory_space<vmem>> -> memref<1x128xi32, #tpu.memory_space<vmem>>
      %dma_start3A_10 = tpu.memref_squeeze %dma_start3A_9 : memref<1x128xi32, #tpu.memory_space<vmem>> -> memref<128xi32, #tpu.memory_space<vmem>>
      %dma_start3A_11 = arith.constant 0 : i32
      %dma_start3A_12 = arith.constant 0 : i32
      %dma_start3A_13 = tpu.memref_slice %arg4[%dma_start3A_11, %dma_start3A_12] : memref<20170x64xf32, #tpu.memory_space<hbm>> -> memref<20170x64xf32, #tpu.memory_space<hbm>>
      tpu.enqueue_indirect_dma source(%dma_start3A_13 : memref<20170x64xf32, #tpu.memory_space<hbm>>) target(%arg10 : memref<128x64xf32, #tpu.memory_space<vmem>>) offsets(%dma_start3A_10 : memref<128xi32, #tpu.memory_space<vmem>>) semaphore(%arg12 : memref<!tpu.dma_semaphore, #tpu.memory_space<semaphore_mem>>)
      %dma_start3A_14 = arith.constant 0 : i32
      %dma_start3A_15 = tpu.memref_slice %arg9[%scan3A_8, %dma_start3A_14] : memref<20x128xi32, #tpu.memory_space<vmem>> -> memref<1x128xi32, #tpu.memory_space<vmem>>
      %dma_start3A_16 = tpu.memref_squeeze %dma_start3A_15 : memref<1x128xi32, #tpu.memory_space<vmem>> -> memref<128xi32, #tpu.memory_space<vmem>>
      %dma_start3A_17 = arith.constant 0 : i32
      %dma_start3A_18 = arith.constant 0 : i32
      %dma_start3A_19 = tpu.memref_slice %arg5[%dma_start3A_17, %dma_start3A_18] : memref<20170x64xf32, #tpu.memory_space<hbm>> -> memref<20170x64xf32, #tpu.memory_space<hbm>>
      tpu.enqueue_indirect_dma source(%dma_start3A_19 : memref<20170x64xf32, #tpu.memory_space<hbm>>) target(%arg11 : memref<128x64xf32, #tpu.memory_space<vmem>>) offsets(%dma_start3A_16 : memref<128xi32, #tpu.memory_space<vmem>>) semaphore(%arg13 : memref<!tpu.dma_semaphore, #tpu.memory_space<semaphore_mem>>)
      %dma_wait3A = arith.constant 0 : i32
      %dma_wait3A_20 = tpu.memref_slice %arg8[%scan3A_8, %dma_wait3A] : memref<20x128xi32, #tpu.memory_space<vmem>> -> memref<1x128xi32, #tpu.memory_space<vmem>>
      %dma_wait3A_21 = tpu.memref_squeeze %dma_wait3A_20 : memref<1x128xi32, #tpu.memory_space<vmem>> -> memref<128xi32, #tpu.memory_space<vmem>>
      %dma_wait3A_22 = arith.constant 0 : i32
      %dma_wait3A_23 = arith.constant 0 : i32
      %dma_wait3A_24 = tpu.memref_slice %arg4[%dma_wait3A_22, %dma_wait3A_23] : memref<20170x64xf32, #tpu.memory_space<hbm>> -> memref<20170x64xf32, #tpu.memory_space<hbm>>
      tpu.wait_indirect_dma semaphore(%arg12 : memref<!tpu.dma_semaphore, #tpu.memory_space<semaphore_mem>>) src(%dma_wait3A_24 : memref<20170x64xf32, #tpu.memory_space<hbm>>) dst(%arg10 : memref<128x64xf32, #tpu.memory_space<vmem>>)
      %mul3A_25 = arith.constant 128 : i32
      %mul3A_26 = arith.muli %scan3A_8, %mul3A_25 : i32
      %add3A_27 = arith.addi %mul3A_2, %mul3A_26 : i32
      "tpu.region"() ({
        %run_scoped3A = tpu.sem_alloc : memref<!tpu.dma_semaphore, #tpu.memory_space<semaphore_mem>>
        %dma_start3A_37 = arith.constant 0 : i32
        %dma_start3A_38 = tpu.memref_slice %arg6[%add3A_27, %dma_start3A_37] : memref<81920x64xf32, #tpu.memory_space<hbm>> -> memref<128x64xf32, #tpu.memory_space<hbm>>
        %dma_start3A_39 = arith.constant 0 : i32
        %dma_start3A_40 = tpu.memref_slice %arg6[%add3A_27, %dma_start3A_39] : memref<81920x64xf32, #tpu.memory_space<hbm>> -> memref<128x64xf32, #tpu.memory_space<hbm>>
        tpu.enqueue_dma source(%arg10 : memref<128x64xf32, #tpu.memory_space<vmem>>) target(%dma_start3A_40 : memref<128x64xf32, #tpu.memory_space<hbm>>) target_semaphore(%run_scoped3A : memref<!tpu.dma_semaphore, #tpu.memory_space<semaphore_mem>>)
        %dma_wait3A_41 = arith.constant 0 : i32
        %dma_wait3A_42 = tpu.memref_slice %arg6[%add3A_27, %dma_wait3A_41] : memref<81920x64xf32, #tpu.memory_space<hbm>> -> memref<128x64xf32, #tpu.memory_space<hbm>>
        %dma_wait3A_43 = arith.constant 0 : i32
        %dma_wait3A_44 = tpu.memref_slice %arg6[%add3A_27, %dma_wait3A_43] : memref<81920x64xf32, #tpu.memory_space<hbm>> -> memref<128x64xf32, #tpu.memory_space<hbm>>
        tpu.wait_dma2 semaphore(%run_scoped3A : memref<!tpu.dma_semaphore, #tpu.memory_space<semaphore_mem>>) src(%arg10 : memref<128x64xf32, #tpu.memory_space<vmem>>) dst(%dma_wait3A_44 : memref<128x64xf32, #tpu.memory_space<hbm>>)
        tpu.yield
      }) : () -> ()
      %dma_wait3A_28 = arith.constant 0 : i32
      %dma_wait3A_29 = tpu.memref_slice %arg9[%scan3A_8, %dma_wait3A_28] : memref<20x128xi32, #tpu.memory_space<vmem>> -> memref<1x128xi32, #tpu.memory_space<vmem>>
      %dma_wait3A_30 = tpu.memref_squeeze %dma_wait3A_29 : memref<1x128xi32, #tpu.memory_space<vmem>> -> memref<128xi32, #tpu.memory_space<vmem>>
      %dma_wait3A_31 = arith.constant 0 : i32
      %dma_wait3A_32 = arith.constant 0 : i32
      %dma_wait3A_33 = tpu.memref_slice %arg5[%dma_wait3A_31, %dma_wait3A_32] : memref<20170x64xf32, #tpu.memory_space<hbm>> -> memref<20170x64xf32, #tpu.memory_space<hbm>>
      tpu.wait_indirect_dma semaphore(%arg13 : memref<!tpu.dma_semaphore, #tpu.memory_space<semaphore_mem>>) src(%dma_wait3A_33 : memref<20170x64xf32, #tpu.memory_space<hbm>>) dst(%arg11 : memref<128x64xf32, #tpu.memory_space<vmem>>)
      %mul3A_34 = arith.constant 128 : i32
      %mul3A_35 = arith.muli %scan3A_8, %mul3A_34 : i32
      %add3A_36 = arith.addi %mul3A_2, %mul3A_35 : i32
      "tpu.region"() ({
        %run_scoped3A = tpu.sem_alloc : memref<!tpu.dma_semaphore, #tpu.memory_space<semaphore_mem>>
        %dma_start3A_37 = arith.constant 0 : i32
        %dma_start3A_38 = tpu.memref_slice %arg7[%add3A_36, %dma_start3A_37] : memref<81920x64xf32, #tpu.memory_space<hbm>> -> memref<128x64xf32, #tpu.memory_space<hbm>>
        %dma_start3A_39 = arith.constant 0 : i32
        %dma_start3A_40 = tpu.memref_slice %arg7[%add3A_36, %dma_start3A_39] : memref<81920x64xf32, #tpu.memory_space<hbm>> -> memref<128x64xf32, #tpu.memory_space<hbm>>
        tpu.enqueue_dma source(%arg11 : memref<128x64xf32, #tpu.memory_space<vmem>>) target(%dma_start3A_40 : memref<128x64xf32, #tpu.memory_space<hbm>>) target_semaphore(%run_scoped3A : memref<!tpu.dma_semaphore, #tpu.memory_space<semaphore_mem>>)
        %dma_wait3A_41 = arith.constant 0 : i32
        %dma_wait3A_42 = tpu.memref_slice %arg7[%add3A_36, %dma_wait3A_41] : memref<81920x64xf32, #tpu.memory_space<hbm>> -> memref<128x64xf32, #tpu.memory_space<hbm>>
        %dma_wait3A_43 = arith.constant 0 : i32
        %dma_wait3A_44 = tpu.memref_slice %arg7[%add3A_36, %dma_wait3A_43] : memref<81920x64xf32, #tpu.memory_space<hbm>> -> memref<128x64xf32, #tpu.memory_space<hbm>>
        tpu.wait_dma2 semaphore(%run_scoped3A : memref<!tpu.dma_semaphore, #tpu.memory_space<semaphore_mem>>) src(%arg11 : memref<128x64xf32, #tpu.memory_space<vmem>>) dst(%dma_wait3A_44 : memref<128x64xf32, #tpu.memory_space<hbm>>)
        tpu.yield
      }) : () -> ()
    }
    %scan3A_7 = arith.constant 20 : i32
    return
  }
}

module attributes {stable_mosaic.version = 14 : i64} {
  func.func @_tc_body(%arg0: i32, %arg1: memref<40x64xf32, #tpu.memory_space<vmem>>, %arg2: memref<40x64xf32, #tpu.memory_space<vmem>>, %arg3: memref<40x8xf32, #tpu.memory_space<vmem>>, %arg4: memref<4x1xf32, #tpu.memory_space<vmem>>, %arg5: memref<2x64xf32, #tpu.memory_space<vmem>>, %arg6: memref<8x126xf32, #tpu.memory_space<vmem>>, %arg7: memref<1x32xf32, #tpu.memory_space<vmem>>, %arg8: memref<40x382xf32, #tpu.memory_space<vmem>>, %arg9: memref<4x64xf32, #tpu.memory_space<vmem>>) attributes {dimension_semantics = [#tpu.dimension_semantics<arbitrary>], iteration_bounds = array<i64: 2017>, scalar_prefetch = 0 : i64, scratch_operands = 0 : i64, tpu.core_type = #tpu.core_type<tc>, window_params = [{transform_indices = @transform_0, window_bounds = array<i64: 40, 64>}, {transform_indices = @transform_1, window_bounds = array<i64: 40, 64>}, {transform_indices = @transform_2, window_bounds = array<i64: 40, 8>}, {pipeline_mode = #tpu.pipeline_mode<synchronous>, transform_indices = @transform_3, window_bounds = array<i64: 4, 1>}, {pipeline_mode = #tpu.pipeline_mode<synchronous>, transform_indices = @transform_4, window_bounds = array<i64: 2, 64>}, {pipeline_mode = #tpu.pipeline_mode<synchronous>, transform_indices = @transform_5, window_bounds = array<i64: 8, 126>}, {pipeline_mode = #tpu.pipeline_mode<synchronous>, transform_indices = @transform_6, window_bounds = array<i64: 1, 32>}, {transform_indices = @transform_7, window_bounds = array<i64: 40, 382>}, {pipeline_mode = #tpu.pipeline_mode<synchronous>, transform_indices = @transform_8, window_bounds = array<i64: 4, 64>}]} {
    %get3A = arith.constant 0 : index
    %get3A_0 = arith.constant 0 : index
    %get3A_1 = vector.load %arg5[%get3A, %get3A_0] : memref<2x64xf32, #tpu.memory_space<vmem>>, vector<1x64xf32>
    %get3A_2 = arith.constant 1 : index
    %get3A_3 = arith.constant 0 : index
    %get3A_4 = vector.load %arg5[%get3A_2, %get3A_3] : memref<2x64xf32, #tpu.memory_space<vmem>>, vector<1x64xf32>
    %get3A_5 = arith.constant 0 : index
    %get3A_6 = arith.constant 0 : index
    %get3A_7 = vector.load %arg1[%get3A_5, %get3A_6] : memref<40x64xf32, #tpu.memory_space<vmem>>, vector<40x64xf32>
    %swap3A = arith.constant 0 : index
    %swap3A_8 = arith.constant 0 : index
    %swap3A_9 = vector.load %arg8[%swap3A, %swap3A_8] : memref<40x382xf32, #tpu.memory_space<vmem>>, vector<40x64xf32>
    tpu.vector_store %arg8[%swap3A, %swap3A_8], %get3A_7 {strides = array<i32>} : memref<40x382xf32, #tpu.memory_space<vmem>>, vector<40x64xf32>,
    %get3A_10 = arith.constant 0 : index
    %get3A_11 = arith.constant 0 : index
    %get3A_12 = vector.load %arg3[%get3A_10, %get3A_11] : memref<40x8xf32, #tpu.memory_space<vmem>>, vector<40x1xf32>
    %mul3A = vector.broadcast %get3A_12 : vector<40x1xf32> to vector<40x64xf32>
    %mul3A_13 = vector.broadcast %get3A_1 : vector<1x64xf32> to vector<40x64xf32>
    %mul3A_14 = arith.mulf %mul3A, %mul3A_13 : vector<40x64xf32>
    %add3A = vector.broadcast %get3A_4 : vector<1x64xf32> to vector<40x64xf32>
    %add3A_15 = arith.addf %mul3A_14, %add3A : vector<40x64xf32>
    %swap3A_16 = arith.constant 0 : index
    %swap3A_17 = arith.constant 64 : index
    %swap3A_18 = vector.load %arg8[%swap3A_16, %swap3A_17] : memref<40x382xf32, #tpu.memory_space<vmem>>, vector<40x64xf32>
    tpu.vector_store %arg8[%swap3A_16, %swap3A_17], %add3A_15 {strides = array<i32>} : memref<40x382xf32, #tpu.memory_space<vmem>>, vector<40x64xf32>,
    %get3A_19 = arith.constant 0 : index
    %get3A_20 = arith.constant 0 : index
    %get3A_21 = vector.load %arg2[%get3A_19, %get3A_20] : memref<40x64xf32, #tpu.memory_space<vmem>>, vector<40x64xf32>
    %swap3A_22 = arith.constant 0 : index
    %swap3A_23 = arith.constant 128 : index
    %swap3A_24 = vector.load %arg8[%swap3A_22, %swap3A_23] : memref<40x382xf32, #tpu.memory_space<vmem>>, vector<40x64xf32>
    tpu.vector_store %arg8[%swap3A_22, %swap3A_23], %get3A_21 {strides = array<i32>} : memref<40x382xf32, #tpu.memory_space<vmem>>, vector<40x64xf32>,
    %get3A_25 = arith.constant 0 : index
    %get3A_26 = arith.constant 4 : index
    %get3A_27 = vector.load %arg3[%get3A_25, %get3A_26] : memref<40x8xf32, #tpu.memory_space<vmem>>, vector<40x1xf32>
    %mul3A_28 = vector.broadcast %get3A_27 : vector<40x1xf32> to vector<40x64xf32>
    %mul3A_29 = vector.broadcast %get3A_1 : vector<1x64xf32> to vector<40x64xf32>
    %mul3A_30 = arith.mulf %mul3A_28, %mul3A_29 : vector<40x64xf32>
    %add3A_31 = vector.broadcast %get3A_4 : vector<1x64xf32> to vector<40x64xf32>
    %add3A_32 = arith.addf %mul3A_30, %add3A_31 : vector<40x64xf32>
    %swap3A_33 = arith.constant 0 : index
    %swap3A_34 = arith.constant 192 : index
    %swap3A_35 = vector.load %arg8[%swap3A_33, %swap3A_34] : memref<40x382xf32, #tpu.memory_space<vmem>>, vector<40x64xf32>
    tpu.vector_store %arg8[%swap3A_33, %swap3A_34], %add3A_32 {strides = array<i32>} : memref<40x382xf32, #tpu.memory_space<vmem>>, vector<40x64xf32>,
    %get3A_36 = arith.constant 6 : index
    %get3A_37 = arith.constant 0 : index
    %get3A_38 = vector.load %arg6[%get3A_36, %get3A_37] : memref<8x126xf32, #tpu.memory_space<vmem>>, vector<1x126xf32>
    %gt3A = arith.constant 5.000000e-01 : f32
    %gt3A_39 = vector.broadcast %gt3A : f32 to vector<1x126xf32>
    %gt3A_40 = arith.cmpf ogt, %get3A_38, %gt3A_39 : vector<1x126xf32>
    %get3A_41 = arith.constant 7 : index
    %get3A_42 = arith.constant 0 : index
    %get3A_43 = vector.load %arg6[%get3A_41, %get3A_42] : memref<8x126xf32, #tpu.memory_space<vmem>>, vector<1x126xf32>
    %gt3A_44 = arith.constant 5.000000e-01 : f32
    %gt3A_45 = vector.broadcast %gt3A_44 : f32 to vector<1x126xf32>
    %gt3A_46 = arith.cmpf ogt, %get3A_43, %gt3A_45 : vector<1x126xf32>
    %get3A_47 = arith.constant 0 : index
    %get3A_48 = arith.constant 1 : index
    %get3A_49 = vector.load %arg3[%get3A_47, %get3A_48] : memref<40x8xf32, #tpu.memory_space<vmem>>, vector<40x1xf32>
    %get3A_50 = arith.constant 0 : index
    %get3A_51 = arith.constant 0 : index
    %get3A_52 = vector.load %arg6[%get3A_50, %get3A_51] : memref<8x126xf32, #tpu.memory_space<vmem>>, vector<1x126xf32>
    %mul3A_53 = vector.broadcast %get3A_49 : vector<40x1xf32> to vector<40x126xf32>
    %mul3A_54 = vector.broadcast %get3A_52 : vector<1x126xf32> to vector<40x126xf32>
    %mul3A_55 = arith.mulf %mul3A_53, %mul3A_54 : vector<40x126xf32>
    %get3A_56 = arith.constant 0 : index
    %get3A_57 = arith.constant 2 : index
    %get3A_58 = vector.load %arg3[%get3A_56, %get3A_57] : memref<40x8xf32, #tpu.memory_space<vmem>>, vector<40x1xf32>
    %get3A_59 = arith.constant 1 : index
    %get3A_60 = arith.constant 0 : index
    %get3A_61 = vector.load %arg6[%get3A_59, %get3A_60] : memref<8x126xf32, #tpu.memory_space<vmem>>, vector<1x126xf32>
    %mul3A_62 = vector.broadcast %get3A_58 : vector<40x1xf32> to vector<40x126xf32>
    %mul3A_63 = vector.broadcast %get3A_61 : vector<1x126xf32> to vector<40x126xf32>
    %mul3A_64 = arith.mulf %mul3A_62, %mul3A_63 : vector<40x126xf32>
    %add3A_65 = arith.addf %mul3A_55, %mul3A_64 : vector<40x126xf32>
    %get3A_66 = arith.constant 0 : index
    %get3A_67 = arith.constant 3 : index
    %get3A_68 = vector.load %arg3[%get3A_66, %get3A_67] : memref<40x8xf32, #tpu.memory_space<vmem>>, vector<40x1xf32>
    %get3A_69 = arith.constant 2 : index
    %get3A_70 = arith.constant 0 : index
    %get3A_71 = vector.load %arg6[%get3A_69, %get3A_70] : memref<8x126xf32, #tpu.memory_space<vmem>>, vector<1x126xf32>
    %mul3A_72 = vector.broadcast %get3A_68 : vector<40x1xf32> to vector<40x126xf32>
    %mul3A_73 = vector.broadcast %get3A_71 : vector<1x126xf32> to vector<40x126xf32>
    %mul3A_74 = arith.mulf %mul3A_72, %mul3A_73 : vector<40x126xf32>
    %add3A_75 = arith.addf %add3A_65, %mul3A_74 : vector<40x126xf32>
    %get3A_76 = arith.constant 0 : index
    %get3A_77 = arith.constant 5 : index
    %get3A_78 = vector.load %arg3[%get3A_76, %get3A_77] : memref<40x8xf32, #tpu.memory_space<vmem>>, vector<40x1xf32>
    %get3A_79 = arith.constant 3 : index
    %get3A_80 = arith.constant 0 : index
    %get3A_81 = vector.load %arg6[%get3A_79, %get3A_80] : memref<8x126xf32, #tpu.memory_space<vmem>>, vector<1x126xf32>
    %mul3A_82 = vector.broadcast %get3A_78 : vector<40x1xf32> to vector<40x126xf32>
    %mul3A_83 = vector.broadcast %get3A_81 : vector<1x126xf32> to vector<40x126xf32>
    %mul3A_84 = arith.mulf %mul3A_82, %mul3A_83 : vector<40x126xf32>
    %add3A_85 = arith.addf %add3A_75, %mul3A_84 : vector<40x126xf32>
    %get3A_86 = arith.constant 0 : index
    %get3A_87 = arith.constant 6 : index
    %get3A_88 = vector.load %arg3[%get3A_86, %get3A_87] : memref<40x8xf32, #tpu.memory_space<vmem>>, vector<40x1xf32>
    %get3A_89 = arith.constant 4 : index
    %get3A_90 = arith.constant 0 : index
    %get3A_91 = vector.load %arg6[%get3A_89, %get3A_90] : memref<8x126xf32, #tpu.memory_space<vmem>>, vector<1x126xf32>
    %mul3A_92 = vector.broadcast %get3A_88 : vector<40x1xf32> to vector<40x126xf32>
    %mul3A_93 = vector.broadcast %get3A_91 : vector<1x126xf32> to vector<40x126xf32>
    %mul3A_94 = arith.mulf %mul3A_92, %mul3A_93 : vector<40x126xf32>
    %add3A_95 = arith.addf %add3A_85, %mul3A_94 : vector<40x126xf32>
    %get3A_96 = arith.constant 0 : index
    %get3A_97 = arith.constant 7 : index
    %get3A_98 = vector.load %arg3[%get3A_96, %get3A_97] : memref<40x8xf32, #tpu.memory_space<vmem>>, vector<40x1xf32>
    %get3A_99 = arith.constant 5 : index
    %get3A_100 = arith.constant 0 : index
    %get3A_101 = vector.load %arg6[%get3A_99, %get3A_100] : memref<8x126xf32, #tpu.memory_space<vmem>>, vector<1x126xf32>
    %mul3A_102 = vector.broadcast %get3A_98 : vector<40x1xf32> to vector<40x126xf32>
    %mul3A_103 = vector.broadcast %get3A_101 : vector<1x126xf32> to vector<40x126xf32>
    %mul3A_104 = arith.mulf %mul3A_102, %mul3A_103 : vector<40x126xf32>
    %add3A_105 = arith.addf %add3A_95, %mul3A_104 : vector<40x126xf32>
    %sin3A = math.sin %add3A_105 : vector<40x126xf32>
    %cos3A = math.cos %add3A_105 : vector<40x126xf32>
    %broadcast_in_dim3A = vector.shape_cast %gt3A_46 : vector<1x126xi1> to vector<1x126xi1>
    %broadcast_in_dim3A_106 = vector.broadcast %broadcast_in_dim3A : vector<1x126xi1> to vector<40x126xi1>
    %select_n3A = arith.select %broadcast_in_dim3A_106, %sin3A, %cos3A : vector<40x126xi1>, vector<40x126xf32>
    %broadcast_in_dim3A_107 = vector.shape_cast %gt3A_40 : vector<1x126xi1> to vector<1x126xi1>
    %broadcast_in_dim3A_108 = vector.broadcast %broadcast_in_dim3A_107 : vector<1x126xi1> to vector<40x126xi1>
    %select_n3A_109 = arith.select %broadcast_in_dim3A_108, %add3A_105, %select_n3A : vector<40x126xi1>, vector<40x126xf32>
    %swap3A_110 = arith.constant 0 : index
    %swap3A_111 = arith.constant 256 : index
    %swap3A_112 = vector.load %arg8[%swap3A_110, %swap3A_111] : memref<40x382xf32, #tpu.memory_space<vmem>>, vector<40x126xf32>
    tpu.vector_store %arg8[%swap3A_110, %swap3A_111], %select_n3A_109 {strides = array<i32>} : memref<40x382xf32, #tpu.memory_space<vmem>>, vector<40x126xf32>,
    %eq3A = arith.constant 0 : i32
    %eq3A_113 = arith.cmpi eq, %arg0, %eq3A : i32
    %convert_element_type3A = arith.extui %eq3A_113 : i1 to i32
    %cond3A = arith.constant 0 : i32
    %cond3A_114 = arith.cmpi ne, %convert_element_type3A, %cond3A : i32
    scf.if %cond3A_114 {
      %get3A_115 = arith.constant 0 : index
      %get3A_116 = arith.constant 0 : index
      %get3A_117 = vector.load %arg4[%get3A_115, %get3A_116] : memref<4x1xf32, #tpu.memory_space<vmem>>, vector<4x1xf32>
      %get3A_118 = arith.constant 0 : index
      %get3A_119 = arith.constant 0 : index
      %get3A_120 = vector.load %arg7[%get3A_118, %get3A_119] : memref<1x32xf32, #tpu.memory_space<vmem>>, vector<1x32xf32>
      %mul3A_121 = vector.broadcast %get3A_117 : vector<4x1xf32> to vector<4x32xf32>
      %mul3A_122 = vector.broadcast %get3A_120 : vector<1x32xf32> to vector<4x32xf32>
      %mul3A_123 = arith.mulf %mul3A_121, %mul3A_122 : vector<4x32xf32>
      %sin3A_124 = math.sin %mul3A_123 : vector<4x32xf32>
      %swap3A_125 = arith.constant 0 : index
      %swap3A_126 = arith.constant 0 : index
      %swap3A_127 = vector.load %arg9[%swap3A_125, %swap3A_126] : memref<4x64xf32, #tpu.memory_space<vmem>>, vector<4x32xf32>
      tpu.vector_store %arg9[%swap3A_125, %swap3A_126], %sin3A_124 {strides = array<i32>} : memref<4x64xf32, #tpu.memory_space<vmem>>, vector<4x32xf32>,
      %cos3A_128 = math.cos %mul3A_123 : vector<4x32xf32>
      %swap3A_129 = arith.constant 0 : index
      %swap3A_130 = arith.constant 32 : index
      %swap3A_131 = vector.load %arg9[%swap3A_129, %swap3A_130] : memref<4x64xf32, #tpu.memory_space<vmem>>, vector<4x32xf32>
      tpu.vector_store %arg9[%swap3A_129, %swap3A_130], %cos3A_128 {strides = array<i32>} : memref<4x64xf32, #tpu.memory_space<vmem>>, vector<4x32xf32>,
    } else {
    }
    return
  }
  func.func @transform_0(%arg0: i32) -> (i32, i32) {
    %c0_i32 = arith.constant 0 : i32
    %c0_i32_0 = arith.constant 0 : i32
    return %arg0, %c0_i32 : i32, i32
  }
  func.func @transform_1(%arg0: i32) -> (i32, i32) {
    %c0_i32 = arith.constant 0 : i32
    %c0_i32_0 = arith.constant 0 : i32
    return %arg0, %c0_i32 : i32, i32
  }
  func.func @transform_2(%arg0: i32) -> (i32, i32) {
    %c0_i32 = arith.constant 0 : i32
    %c0_i32_0 = arith.constant 0 : i32
    return %arg0, %c0_i32 : i32, i32
  }
  func.func @transform_3(%arg0: i32) -> (i32, i32) {
    %c0_i32 = arith.constant 0 : i32
    %c0_i32_0 = arith.constant 0 : i32
    %c0_i32_1 = arith.constant 0 : i32
    return %c0_i32, %c0_i32_0 : i32, i32
  }
  func.func @transform_4(%arg0: i32) -> (i32, i32) {
    %c0_i32 = arith.constant 0 : i32
    %c0_i32_0 = arith.constant 0 : i32
    %c0_i32_1 = arith.constant 0 : i32
    return %c0_i32, %c0_i32_0 : i32, i32
  }
  func.func @transform_5(%arg0: i32) -> (i32, i32) {
    %c0_i32 = arith.constant 0 : i32
    %c0_i32_0 = arith.constant 0 : i32
    %c0_i32_1 = arith.constant 0 : i32
    return %c0_i32, %c0_i32_0 : i32, i32
  }
  func.func @transform_6(%arg0: i32) -> (i32, i32) {
    %c0_i32 = arith.constant 0 : i32
    %c0_i32_0 = arith.constant 0 : i32
    %c0_i32_1 = arith.constant 0 : i32
    return %c0_i32, %c0_i32_0 : i32, i32
  }
  func.func @transform_7(%arg0: i32) -> (i32, i32) {
    %c0_i32 = arith.constant 0 : i32
    %c0_i32_0 = arith.constant 0 : i32
    return %arg0, %c0_i32 : i32, i32
  }
  func.func @transform_8(%arg0: i32) -> (i32, i32) {
    %c0_i32 = arith.constant 0 : i32
    %c0_i32_0 = arith.constant 0 : i32
    %c0_i32_1 = arith.constant 0 : i32
    return %c0_i32, %c0_i32_0 : i32, i32
  }
}

</mosaic_0001>

<sc_bundles>
// kernel: kernel.4.cloned.1.call-start
scs
__scs_entry_jumppad:
0x0: {  	(pc) =	sbr.rel $0x88, $3  }
0x1: {  	(tag) =	ssettag $0x0;
	lr =	simm.s32 $0x1  }
0x2: {  	[smem:$0x3F96] =	sst lr;
	_ =	strace $0xD0000000  }
0x3: {  	_ = 	snop  }
0x4: {  	_ = 	snop  }
0x5: {  	_ = 	snop  }
0x6: {  	_ = 	snop  }
0x7: {  	_ = 	snop  }
__scs_overlays_trampoline_lowered:
0x8: {  	[smem:$0x3FA5] =	sst s0  }
0x9: {  	[smem:$0x3FA6] =	sst s1  }
0xa: {  	[smem:$0x3FA7] =	sst s2  }
0xb: {  	[smem:$0x3FA8] =	sst s3  }
0xc: {  	[smem:$0x3FA9] =	sst s4  }
0xd: {  	[smem:$0x3FAA] =	sst s5  }
0xe: {  	[smem:$0x3FAB] =	sst s6  }
0xf: {  	[smem:$0x3FAC] =	sst s7  }
0x10: {  	[smem:$0x3FAD] =	sst s8  }
0x11: {  	[smem:$0x3FAE] =	sst s9;
	s0 =	simm.s32 @!p0 $0x0  }
0x12: {  	s1 =	sld [smem:$0x3F94];
	s0 =	simm.s32 @p0 $0x1  }
0x13: {  	[smem:$0x3FAF] =	sst s0;
	s0 =	simm.s32 @!p1 $0x0  }
0x14: {  	s2 =	sld [smem:$0x3F93];
	s0 =	simm.s32 @p1 $0x1  }
0x15: {  	[smem:$0x3FB0] =	sst s0;
	s0 =	simm.s32 @!p2 $0x0  }
0x16: {  	s3 =	sld [smem:$0x3FDB];
	s0 =	simm.s32 @p2 $0x1  }
0x17: {  	s4 =	simm.s32 $0x1BF5;
	[smem:$0x3FB2] =	sst s0  }
0x18: {  	s0 =	sld [smem:$0x3F95];
	_ =	swait.ge [sflag:s4], $0x0  }
0x19: {  	s7 =	sld [smem:$0x3F96]  }
0x1a: {  	s8 =	sadd.s32 $0xFFFFE003, lr  }
0x1b: {  	s9 =	sadd.s32 $0xFFFFFEF7, lr;
	s5 =	simm.s32 $0xFFFFFFFF;
	p2 =	slt.u32 s8, $0xFFFFF086  }
0x1c: {  	p1 =	slt.u32 s9, $0xF7A;
	s5 =	simm.s32 @!p2 $0x0  }
0x1d: {  	s5 =	simm.s32 @p1 $0x1;
	p0 =	seq.s32 s7, s2  }
0x1e: {  	s7 =	smul.u32 @!p0 $0xF7A, s2;
	p2 =	seq.s32 @!p0 s5, $0x0  }
0x1f: {  	s9 =	smul.u32 $0xF7A, s1;
	s8 =	simm.s32 @!p0 $0x1BF5;
	p2 =	por !p2, p0  }
0x20: {  	[sflag:s8] =	ssyncset.s32 @!p0 $0xFFFFF086;
	s6 =	sadd.s32 @!p0 s3, s7;
	s7 =	simm.s32 @!p0 $0x108  }
0x21: {  	s3 =	sadd.s32 s3, s9;
	s6 =	sadd.s32 @!p0 $0x88, s6;
	s7 =	simm.s32 @p2 $0x1082  }
0x22: {  	[simem:s7], [sflag:s8] =	dma.local @!p0 [hbm:s6], $0xF7A  }
0x23: {  	s9 =	sor.u32 $0xD0000000, s2;
	s6 =	simm.s32 $0x108;
	_ =	swait.ge @!p0 [sflag:s8], $0x0  }
0x24: {  	s3 =	sadd.s32 $0x88, s3;
	s6 =	simm.s32 @!p1 $0x1082;
	[sflag:s4] =	ssyncset.s32 $0xFFFFF086  }
0x25: {  	[simem:s6], [sflag:s4] =	dma.local [hbm:s3], $0xF7A  }
0x26: {  	[smem:$0x3F96] =	sst s1;
	(tag) =	ssettag s2;
	_ =	strace s9  }
0x27: {  	s1 =	sld [smem:$0x3FA6]  }
0x28: {  	s2 =	sld [smem:$0x3FA7]  }
0x29: {  	s4 =	sld [smem:$0x3FA9]  }
0x2a: {  	p0 =	seq.s32 s5, $0x0;
	s5 =	sld [smem:$0x3FAA]  }
0x2b: {  	s6 =	sld [smem:$0x3FAB]  }
0x2c: {  	s7 =	sld [smem:$0x3FAC]  }
0x2d: {  	s3 =	simm.s32 $0x108;
	s8 =	sld [smem:$0x3FAD]  }
0x2e: {  	s3 =	simm.s32 @!p0 $0x1082;
	s9 =	sld [smem:$0x3FAE]  }
0x2f: {  	lr =	sadd.s32 s0, s3;
	s0 =	sld [smem:$0x3FA5]  }
0x30: {  	s3 =	sld [smem:$0x3FA8]  }
0x31: {  	[smem:$0x3FB1] =	sst s10  }
0x32: {  	s10 =	sld [smem:$0x3FAF];
	_ =	sdelay $0x3  }
0x33: {  	p0 =	seq.s32 s10, $0x1;
	s10 =	sld [smem:$0x3FB1];
	_ =	sdelay $0x3  }
0x34: {  	[smem:$0x3FB1] =	sst s10  }
0x35: {  	s10 =	sld [smem:$0x3FB0];
	_ =	sdelay $0x3  }
0x36: {  	p1 =	seq.s32 s10, $0x1;
	s10 =	sld [smem:$0x3FB1];
	_ =	sdelay $0x3  }
0x37: {  	[smem:$0x3FB1] =	sst s10  }
0x38: {  	s10 =	sld [smem:$0x3FB2]  }
0x39: {  	_ = 	snop;
	(pc) =	sbr.ind lr, $3  }
0x3a: {  	_ = 	snop  }
0x3b: {  	_ = 	snop  }
0x3c: {  	p2 =	seq.s32 s10, $0x1;
	s10 =	sld [smem:$0x3FB1]  }
0x3d: {  	_ =	shalt  }
0x3e: {  	_ =	shalt  }
0x3f: {  	_ =	shalt  }
0x40: {  	_ =	shalt  }
0x41: {  	_ =	shalt  }
0x42: {  	_ =	shalt  }
0x43: {  	_ =	shalt  }
0x44: {  	_ =	shalt  }
0x45: {  	_ =	shalt  }
0x46: {  	_ =	shalt  }
0x47: {  	_ =	shalt  }
0x48: {  	_ =	shalt  }
0x49: {  	_ =	shalt  }
0x4a: {  	_ =	shalt  }
0x4b: {  	_ =	shalt  }
0x4c: {  	_ =	shalt  }
0x4d: {  	_ =	shalt  }
0x4e: {  	_ =	shalt  }
0x4f: {  	_ =	shalt  }
0x50: {  	_ =	shalt  }
0x51: {  	_ =	shalt  }
0x52: {  	_ =	shalt  }
0x53: {  	_ =	shalt  }
0x54: {  	_ =	shalt  }
0x55: {  	_ =	shalt  }
0x56: {  	_ =	shalt  }
0x57: {  	_ =	shalt  }
0x58: {  	_ =	shalt  }
0x59: {  	_ =	shalt  }
0x5a: {  	_ =	shalt  }
0x5b: {  	_ =	shalt  }
0x5c: {  	_ =	shalt  }
0x5d: {  	_ =	shalt  }
0x5e: {  	_ =	shalt  }
0x5f: {  	_ =	shalt  }
0x60: {  	_ =	shalt  }
0x61: {  	_ =	shalt  }
0x62: {  	_ =	shalt  }
0x63: {  	_ =	shalt  }
0x64: {  	_ =	shalt  }
0x65: {  	_ =	shalt  }
0x66: {  	_ =	shalt  }
0x67: {  	_ =	shalt  }
0x68: {  	_ =	shalt  }
0x69: {  	_ =	shalt  }
0x6a: {  	_ =	shalt  }
0x6b: {  	_ =	shalt  }
0x6c: {  	_ =	shalt  }
0x6d: {  	_ =	shalt  }
0x6e: {  	_ =	shalt  }
0x6f: {  	_ =	shalt  }
0x70: {  	_ =	shalt  }
0x71: {  	_ =	shalt  }
0x72: {  	_ =	shalt  }
0x73: {  	_ =	shalt  }
0x74: {  	_ =	shalt  }
0x75: {  	_ =	shalt  }
0x76: {  	_ =	shalt  }
0x77: {  	_ =	shalt  }
0x78: {  	_ =	shalt  }
0x79: {  	_ =	shalt  }
0x7a: {  	_ =	shalt  }
0x7b: {  	_ =	shalt  }
0x7c: {  	_ =	shalt  }
0x7d: {  	_ =	shalt  }
0x7e: {  	_ =	shalt  }
0x7f: {  	_ =	shalt  }
0x80: {  	_ =	shalt  }
0x81: {  	_ =	shalt  }
0x82: {  	_ =	shalt  }
0x83: {  	_ =	shalt  }
0x84: {  	_ =	shalt  }
0x85: {  	_ =	shalt  }
0x86: {  	_ =	shalt  }
0x87: {  	_ =	shalt  }
.Lfunc_end0:
.L_simem_size_0:
called_computation.1_lowered:
.L_overlay_start_0:
0x88: {  	s2 =	sld [smem:$0x3FD9]  }
0x89: {  	s3 =	sld [smem:$0x3FFE];
	_ =	sdelay $0x1  }
0x8a: {  	s1 =	srdreg.scid  }
0x8b: {  	s0 =	sand.u32 $0x1, s1  }
0x8c: {  	s14 =	sshll.u32 s0, $0xA;
	s2 =	sadd.s32 s3, s2  }
0x8d: {  	s2 =	sadd.s32 s2, s14  }
0x8e: {  	[smem:$0x3FBD] =	sst s2  }
0x8f: {  	_ = 	snop  }
0x90: {  	s2 =	sld [smem:$0x3FD0];
	_ =	sdelay $0x2  }
0x91: {  	s15 =	simm.s32 $0xA;
	s4 =	simm.s32 $0x10  }
0x92: {  	[smem:s4], [sflag:s15] =	dma.local [hbm:s2], $0x1  }
0x93: {  	_ =	swait.eq [sflag:s15], $0x1  }
0x94: {  	[sflag:s15] =	ssyncset.done $0x0  }
0x95: {  	[sflag:s15] =	ssyncadd.s32 $0xFFFFFFFF  }
0x96: {  	s16 =	sld [smem:$0x10];
	(tm) =	ssettm $0x1  }
0x97: {  	s17 =	sld [smem:$0x3FFB];
	_ =	sdelay $0x3  }
0x98: {  	_ =	strace s17  }
0x99: {  	s3 =	sld [smem:$0x3FFC];
	_ =	sdelay $0x3  }
0x9a: {  	_ =	strace s3  }
0x9b: {  	s3 =	sld [smem:$0x3FFD];
	_ =	sdelay $0x3  }
0x9c: {  	_ =	strace s3  }
0x9d: {  	_ =	strace $0x8FFFFFFF  }
0x9e: {  	s18 =	sld [smem:$0x3FDB];
	_ =	sdelay $0x1  }
0x9f: {  	s19 =	simm.s32 $_scs_section_size  }
0xa0: {  	s5 =	simm.s32 $_size__tile_overlayer_lowered;
	s6 =	simm.s32 $_tile_overlayer_lowered  }
0xa1: {  	s22 =	simm.s32 $0x1BFF;
	s21 =	sshll.u32 s6, $0x1;
	s3 =	sadd.s32 s19, s18  }
0xa2: {  	s7 =	simm.s32 $0x0;
	s20 =	sshll.u32 s5, $0x1;
	s5 =	sadd.s32 s21, s3  }
0xa3: {  	[timem:s7], [sflag:s22] =	dma.local [hbm:s5], s20  }
0xa4: {  	_ =	swait.ge [sflag:s22], s20  }
0xa5: {  	s4 =	ssub.s32 $0x0, s20;
	[sflag:s22] =	ssyncset.done $0x0  }
0xa6: {  	[sflag:s22] =	ssyncadd.s32 s4;
	_ =	sdelay $0x1  }
0xa7: {  	s23 =	simm.s32 $0x1B8B  }
0xa8: {  	_ =	swait.ge [sflag:s23], $0x1  }
0xa9: {  	[sflag:s23] =	ssyncset.done $0x0  }
0xaa: {  	s25 =	simm.s32 $0x1B8E;
	s24 =	sld [smem:$0x3FFE];
	[sflag:s23] =	ssyncadd.s32 $0xFFFFFFFF  }
0xab: {  	s26 =	simm.s32 $execute0_lowered;
	[smem:$0x3FD2] =	sst s25  }
0xac: {  	s5 =	sshll.u32 s26, $0x1;
	_ =	strace $0x80000046;
	[dreg:$0x1] =	wrdreg $0xFFFFFFFF  }
0xad: {  	s28 =	simm.s32 $_size_execute0_lowered;
	s3 =	sadd.s32 s3, s5;
	[dreg:$0x0] =	wrdreg $0x0  }
0xae: {  	s5 =	sshll.u32 s28, $0x1;
	[dreg:$0x2] =	wrdreg s3  }
0xaf: {  	[dreg:$0x3] =	wrdreg s5  }
0xb0: {  	[dreg:$0x4] =	wrdreg $0xC0  }
0xb1: {  	_ =	task [dreg:s7], $0x5FFFF  }
0xb2: {  	[dreg:$0x1] =	wrdreg $0xFFFFFFFF  }
0xb3: {  	[dreg:$0x0] =	wrdreg $0x60  }
0xb4: {  	[dreg:$0x2] =	wrdreg s24  }
0xb5: {  	[dreg:$0x3] =	wrdreg s16  }
0xb6: {  	[dreg:$0x4] =	wrdreg $0x9  }
0xb7: {  	_ =	task.clear_ibuf [dreg:s7], $0x5FFFF;
	_ =	strace $0x90000046  }
0xb8: {  	s29 =	simm.s32 $0x9;
	_ =	strace $0x80000048  }
0xb9: {  	_ =	swait.ge [sflag:s29], $0x1  }
0xba: {  	[sflag:s29] =	ssyncadd.s32 $0xFFFFFFFF  }
0xbb: {  	_ =	strace $0x90000048  }
0xbc: {  	_ =	sfence  }
0xbd: {  	s30 =	sld [smem:$0x0];
	_ =	sdelay $0x2  }
0xbe: {  	s31 =	sshll.u32 s1, $0xD;
	s1 =	sshrl.u32 s1, $0x2  }
0xbf: {  	s3 =	sand.u32 $0x4000, s31;
	s1 =	sadd.s32 s1, s30  }
0xc0: {  	s0 =	sor.u32 s3, s0;
	s1 =	sshll.u32 s1, $0x11  }
0xc1: {  	s0 =	sor.u32 s1, s0  }
0xc2: {  	s0 =	sadd.s32 $0x8F2B, s0  }
0xc3: {  	[sflag:s0] =	ssyncadd.remote.s32 $0x1  }
0xc4: {  	_ =	sfence.sel $0xFFFF  }
0xc5: {  	[dreg:$0x0] =	wrdreg $0xFFFFFFFF;
	(pc) =	sbr.abs _section_cstart, $3  }
0xc6: {  	[dreg:$0x1] =	wrdreg $0xFFFFFFFF  }
0xc7: {  	_ =	task.clear_ibuf [dreg:s7], $0x2FFFF;
	_ =	strace $0x9FFFFFFF  }
0xc8: {  	(tm) =	ssettm $0x7FFFFFFF  }
0xc9: {  	_ =	shalt  }
tec
execute0_lowered:
.L_overlay_start_1:
0x0: {  	(tag) =	ssettag $0x1  }
0x1: {  	s1 =	srdreg.scid;
	s5 =	rddreg [dreg:$0x0]  }
0x2: {  	s0 =	stileid.u32;
	s9 =	rddreg [dreg:$0x1]  }
0x3: {  	s2 =	simm.s32 $0x0;
	s13 =	simm.s32 $0x1400;
	s14 =	simm.s32 $0x3400  }
0x4: {  	s15 =	simm.s32 $0x1;
	s16 =	simm.s32 $0x2;
	s17 =	simm.s32 $0x0  }
0x5: {  	s4 =	sand.u32 $0x1, s1;
	s30 =	sshll.u32 s0, $0x1;
	s1 =	rddreg [dreg:$0x2]  }
0x6: {  	[smem:$0x7FF] =	sst s2;
	s10 =	smul.u32 $0xA000, s0;
	s3 =	sor.u32 s4, s30  }
0x7: {  	_ =	strace $0x80000047;
	s7 =	ssub.s32 $0x2, s4;
	s11 =	smul.u32 $0x5000, s4  }
0x8: {  	s4 =	sadd.s32 $0x2F200, s5;
	s3 =	smul.u32 $0xA00, s3;
	s8 =	sshrl.u32 s7, $0x1  }
0x9: {  	s12 =	sadd.s32 s10, s5;
	s9 =	sadd.s32 s10, s9;
	s10 =	simm.s32 $0x3  }
0xa: {  	s7 =	ssub.s32 s7, s8;
	s31 =	sadd.s32 s11, s12;
	s9 =	sadd.s32 s11, s9  }
0xb: {  	s11 =	simm.s32 $0xA00;
	s12 =	simm.s32 $0x80;
	s3 =	sshrl.u32 s3, $0x3  }
0xc: {  	s7 =	smax.u32 s7, $0x1;
	s8 =	sadd.s32 $0x56A00, s31;
	s6 =	sadd.s32 s3, s5  }
0xd: {  	s3 =	sadd.s32 $0x7A00, s5;
	s5 =	sadd.s32 $0x2A00, s6;
	s6 =	sadd.s32 $0x5200, s6  }
.LBB2_1:
0xe: {  	[tilespmem:s2], [sflag:$0x3] =	stream.linear.gather [hbm4b:s5+s2], $0xA00, $0x38;
	[tilespmem:$0x5400] =	vst v63  }
0xf: {  	_ =	swait.ge [sflag:s10], $0xA00  }
0x10: {  	[sflag:s10] =	ssyncset.done $0x0  }
0x11: {  	[sflag:s10] =	ssyncadd.s32 $0xFFFFF600  }
0x12: {  	[tilespmem:s11], [sflag:$0x3] =	stream.linear.gather [hbm4b:s6+s2], $0xA00, $0x38;
	[tilespmem:$0x5400] =	vst v63  }
0x13: {  	_ =	swait.ge [sflag:s10], $0xA00  }
0x14: {  	[sflag:s10] =	ssyncset.done $0x0  }
0x15: {  	s18 =	simm.s32 $0x0;
	[sflag:s10] =	ssyncadd.s32 $0xFFFFF600  }
0x16: {  	[tilespmem:s13], [sflag:$0x1] =	stream.indirect.gather [hbm4b:s3+s12], $0x40, s18, s12, $0xb8;
	[tilespmem:$0x5400] =	vst v63  }
0x17: {  	s31 =	simm.s32 $0xA00  }
0x18: {  	[tilespmem:s14], [sflag:$0x2] =	stream.indirect.gather [hbm4b:s4+s12], $0x40, s31, s12, $0xb8;
	[tilespmem:$0x5400] =	vst v63  }
0x19: {  	_ =	swait.ge [sflag:s15], $0x2000  }
0x1a: {  	[sflag:s15] =	ssyncset.done $0x0  }
0x1b: {  	[sflag:s15] =	ssyncadd.s32 $0xFFFFE000  }
0x1c: {  	[hbm4b:s9+s2] =	stream.linear.scatter [tilespmem:s13], [sflag:$0x3], $0x2000, $0x38;
	[tilespmem:$0x5400] =	vst v63  }
0x1d: {  	_ =	swait.ge [sflag:s10], $0x2000  }
0x1e: {  	[sflag:s10] =	ssyncset.done $0x0  }
0x1f: {  	[sflag:s10] =	ssyncadd.s32 $0xFFFFE000  }
0x20: {  	_ =	swait.ge [sflag:s16], $0x2000  }
0x21: {  	[sflag:s16] =	ssyncset.done $0x0  }
0x22: {  	[sflag:s16] =	ssyncadd.s32 $0xFFFFE000  }
0x23: {  	[hbm4b:s8+s2] =	stream.linear.scatter [tilespmem:s14], [sflag:$0x3], $0x2000, $0x38;
	[tilespmem:$0x5400] =	vst v63  }
0x24: {  	s20 =	simm.s32 $0x200;
	s21 =	simm.s32 $0x400;
	_ =	swait.ge [sflag:s10], $0x2000  }
0x25: {  	s19 =	sadd.s32 $0x400, s9;
	s18 =	sadd.s32 $0x400, s8;
	[sflag:s10] =	ssyncset.done $0x0  }
.LBB2_2:
0x26: {  	s22 =	sshra.s32 s20, $0x2  }
0x27: {  	[sflag:s10] =	ssyncadd.s32 $0xFFFFE000;
	s20 =	smov.u32 s21;
	s23 =	sadd.s32 $0x200, s21  }
0x28: {  	[tilespmem:s13], [sflag:$0x1] =	stream.indirect.gather [hbm4b:s3+s12], $0x40, s22, s12, $0xb8;
	[tilespmem:$0x5400] =	vst v63  }
0x29: {  	p0 =	sne.s32 s21, $0x2600;
	s21 =	sadd.s32 $0xA00, s22  }
0x2a: {  	[tilespmem:s14], [sflag:$0x2] =	stream.indirect.gather [hbm4b:s4+s12], $0x40, s21, s12, $0xb8;
	[tilespmem:$0x5400] =	vst v63  }
0x2b: {  	_ =	swait.ge [sflag:s15], $0x2000  }
0x2c: {  	[sflag:s15] =	ssyncset.done $0x0  }
0x2d: {  	[sflag:s15] =	ssyncadd.s32 $0xFFFFE000  }
0x2e: {  	[hbm4b:s19+s2] =	stream.linear.scatter [tilespmem:s13], [sflag:$0x3], $0x2000, $0x38;
	[tilespmem:$0x5400] =	vst v63  }
0x2f: {  	_ =	swait.ge [sflag:s10], $0x2000  }
0x30: {  	[sflag:s10] =	ssyncset.done $0x0  }
0x31: {  	[sflag:s10] =	ssyncadd.s32 $0xFFFFE000  }
0x32: {  	_ =	swait.ge [sflag:s16], $0x2000  }
.Ltmp0:
0x33: {  	[sflag:s16] =	ssyncset.done $0x0;
	(pc) =	sbr.rel @p0 .LBB2_2-.Ltmp0, $4  }
0x34: {  	[sflag:s16] =	ssyncadd.s32 $0xFFFFE000  }
0x35: {  	[hbm4b:s18+s2] =	stream.linear.scatter [tilespmem:s14], [sflag:$0x3], $0x2000, $0x38;
	[tilespmem:$0x5400] =	vst v63  }
0x36: {  	s21 =	smov.u32 s23;
	_ =	swait.ge [sflag:s10], $0x2000  }
0x37: {  	s19 =	sadd.s32 $0x400, s19;
	s18 =	sadd.s32 $0x400, s18;
	[sflag:s10] =	ssyncset.done $0x0  }
0x38: {  	s20 =	sshra.s32 s20, $0x2;
	[sflag:s10] =	ssyncadd.s32 $0xFFFFE000  }
0x39: {  	[tilespmem:s13], [sflag:$0x1] =	stream.indirect.gather [hbm4b:s3+s12], $0x40, s20, s12, $0xb8;
	[tilespmem:$0x5400] =	vst v63  }
0x3a: {  	s20 =	sadd.s32 $0xA00, s20  }
0x3b: {  	[tilespmem:s14], [sflag:$0x2] =	stream.indirect.gather [hbm4b:s4+s12], $0x40, s20, s12, $0xb8;
	[tilespmem:$0x5400] =	vst v63  }
0x3c: {  	_ =	swait.ge [sflag:s15], $0x2000  }
0x3d: {  	[sflag:s15] =	ssyncset.done $0x0  }
0x3e: {  	[sflag:s15] =	ssyncadd.s32 $0xFFFFE000  }
0x3f: {  	[hbm4b:s19+s2] =	stream.linear.scatter [tilespmem:s13], [sflag:$0x3], $0x2000, $0x38;
	[tilespmem:$0x5400] =	vst v63  }
0x40: {  	_ =	swait.ge [sflag:s10], $0x2000  }
0x41: {  	[sflag:s10] =	ssyncset.done $0x0  }
0x42: {  	[sflag:s10] =	ssyncadd.s32 $0xFFFFE000  }
0x43: {  	s17 =	sadd.s32 $0x1, s17;
	_ =	swait.ge [sflag:s16], $0x2000  }
0x44: {  	p0 =	sne.s32 s17, s7;
	[sflag:s16] =	ssyncset.done $0x0  }
.Ltmp1:
0x45: {  	[sflag:s16] =	ssyncadd.s32 $0xFFFFE000;
	(pc) =	sbr.rel @p0 .LBB2_1-.Ltmp1, $4  }
0x46: {  	[hbm4b:s18+s2] =	stream.linear.scatter [tilespmem:s14], [sflag:$0x3], $0x2000, $0x38;
	[tilespmem:$0x5400] =	vst v63  }
0x47: {  	_ =	swait.ge [sflag:s10], $0x2000  }
0x48: {  	[sflag:s10] =	ssyncset.done $0x0  }
0x49: {  	[sflag:s10] =	ssyncadd.s32 $0xFFFFE000  }
0x4a: {  	_ =	sfence.sel $0x180000  }
0x4b: {  	[bflag:$0x0] =	sbarrier.arrive $0xFFFF  }
0x4c: {  	p0 =	sne.s32 s0, $0x0;
	_ =	strace $0x90000047  }
0x4d: {  	s0 =	sadd.s32 @!p0 $0x100000, s1;
	[bflag:$0x2] =	sbarrier.arrive $0xFFFF  }
0x4e: {  	[sflag:s0] =	ssyncadd.tile.s32 @!p0 $0x1;
	_ =	shalt  }
.Lfunc_end2:
_tile_overlayer_lowered:
.L_overlay_start_2:
0x4f: {  	(tag) =	ssettag $0x2  }
0x50: {  	s0 =	rddreg [dreg:$0x0];
	s2 =	stileid.u32  }
0x51: {  	s1 =	rddreg [dreg:$0x1];
	p0 =	sne.s32 s2, $0x0  }
0x52: {  	s3 =	rddreg [dreg:$0x2];
	[bflag:$0x3] =	sbarrier.arrive $0xFFFF;
	s2 =	simm.s32 @!p0 $0x1C03  }
0x53: {  	[timem:s3], [sflag:s2] =	dma.local @!p0 [hbm:s0], s1  }
0x54: {  	s0 =	simm.s32 @!p0 $0x3  }
0x55: {  	_ =	swait.ge @!p0 [sflag:s0], s1  }
0x56: {  	s1 =	ssub.s32 @!p0 $0x0, s1;
	[sflag:s0] =	ssyncset.done @!p0 $0x0  }
0x57: {  	[sflag:s0] =	ssyncadd.s32 @!p0 s1  }
0x58: {  	[bflag:$0x3] =	sbarrier.arrive $0xFFFF  }
0x59: {  	_ =	shalt  }

// kernel: sparse-core-data-format-call.cloned.1.call-start
scs
called_computation_lowered:
.L_overlay_start_0:
0x0: {  	s2 =	sld [smem:$0x3FD9]  }
0x1: {  	s3 =	sld [smem:$0x3FFE];
	_ =	sdelay $0x1  }
0x2: {  	s1 =	srdreg.scid  }
0x3: {  	s0 =	sand.u32 $0x1, s1  }
0x4: {  	s15 =	sshll.u32 s0, $0xA;
	s2 =	sadd.s32 s3, s2  }
0x5: {  	s2 =	sadd.s32 s2, s15  }
0x6: {  	[smem:$0x3FBD] =	sst s2  }
0x7: {  	_ = 	snop  }
0x8: {  	s2 =	sld [smem:$0x3FD0];
	_ =	sdelay $0x2  }
0x9: {  	s16 =	simm.s32 $0xA;
	s4 =	simm.s32 $0x10  }
0xa: {  	[smem:s4], [sflag:s16] =	dma.local [hbm:s2], $0x1  }
0xb: {  	_ =	swait.eq [sflag:s16], $0x1  }
0xc: {  	[sflag:s16] =	ssyncset.done $0x0  }
0xd: {  	[sflag:s16] =	ssyncadd.s32 $0xFFFFFFFF  }
0xe: {  	s17 =	sld [smem:$0x10];
	(tm) =	ssettm $0x1  }
0xf: {  	s18 =	sld [smem:$0x3FFB];
	_ =	sdelay $0x3  }
0x10: {  	_ =	strace s18  }
0x11: {  	s3 =	sld [smem:$0x3FFC];
	_ =	sdelay $0x3  }
0x12: {  	_ =	strace s3  }
0x13: {  	s3 =	sld [smem:$0x3FFD];
	_ =	sdelay $0x3  }
0x14: {  	_ =	strace s3  }
0x15: {  	_ =	strace $0x8FFFFFFF  }
0x16: {  	s19 =	sld [smem:$0x3FDB];
	_ =	sdelay $0x1  }
0x17: {  	s20 =	simm.s32 $_scs_section_size  }
0x18: {  	s5 =	simm.s32 $_size__tile_overlayer_lowered;
	s6 =	simm.s32 $_tile_overlayer_lowered  }
0x19: {  	s23 =	simm.s32 $0x1BFF;
	s22 =	sshll.u32 s6, $0x1;
	s3 =	sadd.s32 s20, s19  }
0x1a: {  	s7 =	simm.s32 $0x0;
	s21 =	sshll.u32 s5, $0x1;
	s5 =	sadd.s32 s22, s3  }
0x1b: {  	[timem:s7], [sflag:s23] =	dma.local [hbm:s5], s21  }
0x1c: {  	_ =	swait.ge [sflag:s23], s21  }
0x1d: {  	s4 =	ssub.s32 $0x0, s21;
	[sflag:s23] =	ssyncset.done $0x0  }
0x1e: {  	[sflag:s23] =	ssyncadd.s32 s4;
	_ =	sdelay $0x1  }
0x1f: {  	s24 =	simm.s32 $0x1B8B  }
0x20: {  	_ =	swait.ge [sflag:s24], $0x1  }
0x21: {  	[sflag:s24] =	ssyncset.done $0x0  }
0x22: {  	s26 =	simm.s32 $0x1B8E;
	s25 =	sld [smem:$0x3FFE];
	[sflag:s24] =	ssyncadd.s32 $0xFFFFFFFF  }
0x23: {  	s27 =	simm.s32 $execute0_lowered;
	[smem:$0x3FD2] =	sst s26  }
0x24: {  	s5 =	sshll.u32 s27, $0x1;
	_ =	strace $0x80000049;
	[dreg:$0x1] =	wrdreg $0xFFFFFFFF  }
0x25: {  	s28 =	simm.s32 $_size_execute0_lowered;
	s3 =	sadd.s32 s3, s5;
	[dreg:$0x0] =	wrdreg $0x0  }
0x26: {  	s5 =	sshll.u32 s28, $0x1;
	[dreg:$0x2] =	wrdreg s3  }
0x27: {  	[dreg:$0x3] =	wrdreg s5  }
0x28: {  	[dreg:$0x4] =	wrdreg $0xC0  }
0x29: {  	_ =	task [dreg:s7], $0x5FFFF  }
0x2a: {  	[dreg:$0x1] =	wrdreg $0xFFFFFFFF  }
0x2b: {  	[dreg:$0x0] =	wrdreg $0x60  }
0x2c: {  	[dreg:$0x2] =	wrdreg s25  }
0x2d: {  	[dreg:$0x3] =	wrdreg s17  }
0x2e: {  	[dreg:$0x4] =	wrdreg $0x9  }
0x2f: {  	_ =	task.clear_ibuf [dreg:s7], $0x5FFFF;
	_ =	strace $0x90000049  }
0x30: {  	s29 =	simm.s32 $0x9;
	_ =	strace $0x8000004B  }
0x31: {  	_ =	swait.ge [sflag:s29], $0x1  }
0x32: {  	[sflag:s29] =	ssyncadd.s32 $0xFFFFFFFF  }
0x33: {  	_ =	strace $0x9000004B  }
0x34: {  	_ =	sfence  }
0x35: {  	s30 =	sld [smem:$0x0];
	_ =	sdelay $0x2  }
0x36: {  	s31 =	sshll.u32 s1, $0xD;
	s1 =	sshrl.u32 s1, $0x2  }
0x37: {  	s3 =	sand.u32 $0x4000, s31;
	s1 =	sadd.s32 s1, s30  }
0x38: {  	s0 =	sor.u32 s3, s0;
	s1 =	sshll.u32 s1, $0x11  }
0x39: {  	s0 =	sor.u32 s1, s0  }
0x3a: {  	s0 =	sadd.s32 $0x8F2B, s0  }
0x3b: {  	[sflag:s0] =	ssyncadd.remote.s32 $0x1  }
0x3c: {  	_ =	sfence.sel $0xFFFF  }
0x3d: {  	[dreg:$0x0] =	wrdreg $0xFFFFFFFF;
	(pc) =	sbr.abs _section_cstart, $3  }
0x3e: {  	[dreg:$0x1] =	wrdreg $0xFFFFFFFF  }
0x3f: {  	_ =	task.clear_ibuf [dreg:s7], $0x2FFFF;
	_ =	strace $0x9FFFFFFF  }
0x40: {  	(tm) =	ssettm $0x7FFFFFFF  }
0x41: {  	_ =	shalt  }
tec
execute0_lowered:
.L_overlay_start_1:
0x0: {  	(tag) =	ssettag $0x1  }
0x1: {  	s3 =	stileid.u32  }
0x2: {  	s0 =	srdreg.scid;
	s2 =	rddreg [dreg:$0x0]  }
0x3: {  	_ =	strace $0x8000004A;
	s1 =	sshll.u32 s3, $0x5;
	s0 =	sshll.u32 s0, $0x9  }
0x4: {  	s28 =	simm.s32 $0x1;
	s29 =	simm.s32 $0x2;
	s0 =	sor.u32 s1, s0  }
0x5: {  	s16 =	simm.s32 $0x0;
	p0 =	por $0x0, $0x0;
	s4 =	sand.u32 $0x380, s0  }
0x6: {  	s15 =	simm.s32 $0x0;
	s17 =	simm.s32 $0x0;
	s0 =	ssub.s32 $0x4E80, s4  }
0x7: {  	s8 =	simm.s32 $0x0;
	s9 =	simm.s32 $0x0;
	s0 =	sshrl.u32 s0, $0xA  }
0x8: {  	s10 =	simm.s32 $0x0;
	s2 =	sadd.s32 $0x723600, s2;
	s0 =	smul.u32 $0x3, s0  }
.Ltmp0:
0x9: {  	s30 =	sand.u32 $0x3, s3;
	[dreg:$0x4] =	wrdreg s2;
	(pc) =	sbr.rel .LBB1_1-.Ltmp0, $4  }
0xa: {  	s11 =	simm.s32 $0x0;
	s14 =	simm.s32 $0x0;
	[dreg:$0x5] =	wrdreg s30  }
0xb: {  	[sflag:s28] =	ssyncpa.u1 $0x0;
	[dreg:$0x3] =	wrdreg s4;
	s31 =	sadd.s32 $0x3, s0  }
0xc: {  	[sflag:s29] =	ssyncpa.u1 $0x0;
	s7 =	sadd.s32 $0x4, s0;
	[dreg:$0x6] =	wrdreg s31  }
0xd: {  	s13 =	smov.u32 s30;
	s12 =	smov.u32 s4;
	[dreg:$0x7] =	wrdreg s7  }
.LBB1_14:
0xe: {  	s0 =	rddreg [dreg:$0x15]  }
0xf: {  	s10 =	rddreg [dreg:$0xa]  }
0x10: {  	s9 =	rddreg [dreg:$0x9]  }
0x11: {  	s8 =	rddreg [dreg:$0x8]  }
0x12: {  	s5 =	rddreg [dreg:$0x13]  }
0x13: {  	s6 =	rddreg [dreg:$0x14]  }
0x14: {  	s25 =	rddreg [dreg:$0x12]  }
0x15: {  	s27 =	rddreg [dreg:$0x1]  }
0x16: {  	s7 =	rddreg [dreg:$0x7]  }
0x17: {  	s11 =	rddreg [dreg:$0xb]  }
0x18: {  	s12 =	rddreg [dreg:$0xc]  }
0x19: {  	s13 =	rddreg [dreg:$0xd]  }
0x1a: {  	s14 =	rddreg [dreg:$0xe]  }
0x1b: {  	s15 =	rddreg [dreg:$0xf]  }
0x1c: {  	s31 =	simm.s32 $0x13C00;
	s16 =	rddreg [dreg:$0x10]  }
0x1d: {  	s17 =	rddreg [dreg:$0x11];
	s0 =	smul.u32 $0x4080, s0;
	s1 =	sshrl.u32 s10, $0x2  }
0x1e: {  	s2 =	sshll.u32 s9, $0x2;
	s3 =	sand.u32 $0x7F, s9;
	s4 =	sshll.u32 s10, $0x7  }
0x1f: {  	p1 =	sgt.s32 s9, $0x4E80;
	p2 =	sgt.s32 s8, $0xFE;
	s1 =	smul.u32 $0x13C00, s1  }
0x20: {  	s2 =	sand.u32 $0xFFFFFE00, s2;
	s21 =	sand.u32 $0x180, s4;
	s4 =	smov.u32 s9  }
0x21: {  	s26 =	smul.u32 $0x2780, s8;
	s4 =	simm.s32 @!p1 $0x4E80;
	s1 =	sadd.s32 s1, s2  }
0x22: {  	s0 =	sor.u32 $0x8000, s0;
	s2 =	smov.u32 s8;
	s1 =	sor.u32 s21, s1  }
0x23: {  	s4 =	sadd.s32 s5, s4;
	s2 =	simm.s32 @!p2 $0xFE;
	s3 =	sor.u32 s3, s1  }
0x24: {  	s23 =	sadd.s32 $0xFFFFB180, s4;
	s4 =	ssub.s32 $0x4F00, s4;
	s22 =	smulhi.u32 $0xCF6474A9, s3  }
0x25: {  	s2 =	sadd.s32 s6, s2;
	p1 =	sgt.s32 s23, $0x7F;
	s1 =	smulhi.u32 $0xCF6474A9, s1  }
0x26: {  	s24 =	sadd.s32 $0xFFFFFF02, s2;
	s4 =	simm.s32 @p1 $0x0;
	s5 =	sshrl.u32 s22, $0xE  }
0x27: {  	s2 =	ssub.s32 $0x17E, s2;
	s1 =	sshrl.u32 s1, $0xE;
	s5 =	smul.u32 $0x4F00, s5  }
0x28: {  	p2 =	sgt.s32 s24, $0x7F;
	s4 =	smul.u32 s25, s4;
	s1 =	sand.u32 $0x3, s1  }
0x29: {  	s2 =	simm.s32 @p2 $0x0;
	s1 =	smul.u32 $0x9E0, s1;
	s3 =	ssub.s32 s3, s5  }
0x2a: {  	s2 =	smul.u32 s2, s4;
	s4 =	sadd.s32 s27, s26;
	s28 =	sand.u32 $0x7, s3  }
0x2b: {  	s1 =	sadd.s32 s1, s4;
	s3 =	sshrl.u32 s3, $0x3;
	s29 =	sshll.u32 s28, $0x12  }
0x2c: {  	s2 =	sand.u32 $0x3FFFFFFF, s2;
	s1 =	sadd.s32 s3, s1;
	s30 =	sor.u32 $0x80, s29  }
0x2d: {  	[hbm4b:s1+s30] =	stream.strided.scatter [tilespmem:s0], [sflag:$0x2], s2, s31, s30, $0x20;
	[tilespmem:$0x10100] =	vst v63  }
.LBB1_15:
0x2e: {  	p1 =	slt.u32 s14, $0x2;
	s1 =	smov.u32 s17;
	s3 =	smov.u32 s16  }
0x2f: {  	p2 =	sgt.s32 @!p1 s16, $0xFE;
	s0 =	sshra.s32 @!p1 s16, $0x1F;
	p3 =	sgt.s32 @!p1 s17, $0x3  }
0x30: {  	s2 =	sshra.s32 @!p1 s17, $0x1F;
	s4 =	sshra.s32 @!p1 s15, $0x1F;
	p2 =	por !p2, p1  }
0x31: {  	s0 =	sand.u32 @!p1 s0, s16;
	p3 =	por !p3, p1;
	s2 =	sand.u32 @!p1 s2, s17  }
0x32: {  	s1 =	simm.s32 @p3 $0x3;
	p3 =	sgt.s32 @!p1 s15, $0x4E80;
	s3 =	simm.s32 @p2 $0xFE  }
0x33: {  	s1 =	ssub.s32 @!p1 s1, s2;
	p3 =	por !p3, p1;
	s2 =	smov.u32 s15  }
0x34: {  	s4 =	sand.u32 @!p1 s4, s15;
	s0 =	ssub.s32 @!p1 s3, s0;
	s2 =	simm.s32 @p3 $0x4E80  }
0x35: {  	s3 =	sadd.s32 @!p1 $0xFFFFFFFD, s1;
	s1 =	ssub.s32 @!p1 $0x4, s1;
	s2 =	ssub.s32 @!p1 s2, s4  }
0x36: {  	s4 =	sadd.s32 @!p1 $0xFFFFFF02, s0;
	p2 =	sgt.s32 @!p1 s3, $0x0;
	s3 =	sadd.s32 @!p1 $0xFFFFB180, s2  }
0x37: {  	s0 =	ssub.s32 @!p1 $0x17E, s0;
	p2 =	por !p2, p1;
	p3 =	sgt.s32 @!p1 s3, $0x7F  }
0x38: {  	s2 =	ssub.s32 @!p1 $0x4F00, s2;
	s1 =	simm.s32 @!p2 $0x0;
	p2 =	por !p3, p1  }
0x39: {  	s3 =	sadd.s32 $0x400, s12;
	p3 =	sgt.s32 @!p1 s4, $0x7F;
	s2 =	simm.s32 @!p2 $0x0  }
0x3a: {  	p2 =	por !p3, p1;
	s1 =	smul.u32 @!p1 s1, s2;
	s2 =	sadd.s32 $0x80, s11  }
0x3b: {  	s4 =	smov.u32 s12;
	s0 =	simm.s32 @!p2 $0x0;
	p2 =	sgt.s32 s2, $0x17D  }
0x3c: {  	s0 =	smul.u32 @!p1 s0, s1;
	s4 =	smov.u32 @p2 s3  }
0x3d: {  	s1 =	sadd.s32 $0x4, s13;
	s3 =	smov.u32 s13;
	p3 =	sgt.s32 s4, $0x4EC9  }
0x3e: {  	s0 =	sand.u32 @!p1 $0x3FFFFFFF, s0;
	s3 =	smov.u32 @p3 s1;
	s1 =	simm.s32 @!p1 $0x2  }
0x3f: {  	_ =	swait.ge @!p1 [sflag:s1], s0  }
0x40: {  	s2 =	simm.s32 @p2 $0x0;
	s5 =	rddreg [dreg:$0x3]  }
0x41: {  	p2 =	sgt.s32 s3, $0x3;
	s4 =	smov.u32 @p3 s5;
	s5 =	rddreg [dreg:$0x5]  }
0x42: {  	s3 =	smov.u32 @p2 s5;
	p2 =	sne.s32 s14, s7  }
.Ltmp1:
0x43: {  	p0 =	por !p0, !p0;
	s16 =	smov.u32 s8;
	(pc) =	sbr.rel @!p2 .LBB1_16-.Ltmp1, $4  }
0x44: {  	s17 =	smov.u32 s10;
	s8 =	smov.u32 s11;
	s10 =	smov.u32 s13  }
0x45: {  	s15 =	smov.u32 s9;
	s0 =	ssub.s32 @!p1 $0x0, s0;
	[sflag:s1] =	ssyncset.done @!p1 $0x0  }
0x46: {  	s9 =	smov.u32 s12;
	s11 =	smov.u32 s2;
	[sflag:s1] =	ssyncadd.s32 @!p1 s0  }
0x47: {  	s14 =	sadd.s32 $0x1, s14;
	s12 =	smov.u32 s4;
	s13 =	smov.u32 s3  }
.LBB1_1:
0x48: {  	s0 =	rddreg [dreg:$0x6]  }
0x49: {  	p1 =	sge.u32 s14, s0  }
0x4a: {  	s3 =	smov.u32 s13;
	s5 =	smov.u32 s12;
	s0 =	sshrl.u32 @!p1 s12, $0x3  }
0x4b: {  	s6 =	smov.u32 s11;
	s1 =	sshll.u32 @!p1 s11, $0x3;
	s0 =	smul.u32 @!p1 $0xC00, s0  }
0x4c: {  	p2 =	sgt.s32 @!p1 s13, $0x3;
	s4 =	sshra.s32 @!p1 s13, $0x1F;
	s1 =	sand.u32 @!p1 $0xFFFFFC00, s1  }
0x4d: {  	p2 =	por !p2, p1;
	s0 =	sadd.s32 @!p1 s0, s1;
	s1 =	sshll.u32 @!p1 s12, $0x7  }
0x4e: {  	s4 =	sand.u32 @!p1 s4, s13;
	s3 =	simm.s32 @p2 $0x3;
	s1 =	sand.u32 @!p1 $0x380, s1  }
0x4f: {  	p2 =	sgt.s32 @!p1 s12, $0x4E50;
	s0 =	sor.u32 @!p1 s1, s0;
	s1 =	ssub.s32 @!p1 s3, s4  }
0x50: {  	s2 =	sand.u32 @!p1 $0x7F, s11;
	p2 =	por !p2, p1;
	s4 =	sadd.s32 @!p1 $0xFFFFFFFD, s1  }
0x51: {  	s5 =	simm.s32 @p2 $0x4E50;
	p2 =	sgt.s32 @!p1 s4, $0x0;
	s4 =	sshra.s32 @!p1 s12, $0x1F  }
0x52: {  	s1 =	ssub.s32 @!p1 $0x4, s1;
	p2 =	por !p2, p1;
	s4 =	sand.u32 @!p1 s4, s12  }
0x53: {  	s1 =	simm.s32 @!p2 $0x0;
	s4 =	ssub.s32 @!p1 s5, s4;
	p2 =	sgt.s32 @!p1 s11, $0x100  }
0x54: {  	s3 =	smulhi.u32 @!p1 $0xAAAAAAAB, s0;
	s5 =	sadd.s32 @!p1 $0xFFFFB1B0, s4;
	p2 =	por !p2, p1  }
0x55: {  	s6 =	simm.s32 @p2 $0x100;
	p2 =	sgt.s32 @!p1 s5, $0x7F;
	s5 =	sshra.s32 @!p1 s11, $0x1F  }
0x56: {  	s0 =	sor.u32 @!p1 s2, s0;
	s3 =	sshrl.u32 @!p1 s3, $0x8;
	s5 =	sand.u32 @!p1 s5, s11  }
0x57: {  	s4 =	ssub.s32 @!p1 $0x4ED0, s4;
	p2 =	por !p2, p1;
	s5 =	ssub.s32 @!p1 s6, s5  }
0x58: {  	s6 =	smulhi.u32 @!p1 $0x19FC589, s3;
	s4 =	simm.s32 @!p2 $0x0;
	s2 =	sadd.s32 @!p1 $0xFFFFFF00, s5  }
0x59: {  	s1 =	smul.u32 @!p1 s1, s4;
	s5 =	ssub.s32 @!p1 $0x180, s5;
	p2 =	sgt.s32 @!p1 s2, $0x7F  }
0x5a: {  	s2 =	smulhi.u32 @!p1 $0xAAAAAAAB, s0;
	s4 =	sshrl.u32 @!p1 s6, $0x7;
	p2 =	por !p2, p1  }
0x5b: {  	s4 =	smul.u32 @!p1 $0x4ED0, s4;
	s5 =	simm.s32 @!p2 $0x0  }
0x5c: {  	s2 =	sshrl.u32 @!p1 s2, $0x8;
	s1 =	smul.u32 @!p1 s5, s1;
	s5 =	sxor.u32 @!p1 $0xFFFFFFFF, s14  }
0x5d: {  	s2 =	smul.u32 @!p1 $0x180, s2;
	s5 =	sshll.u32 @!p1 s5, $0xE  }
0x5e: {  	s3 =	ssub.s32 @!p1 s3, s4;
	s4 =	smul.u32 @!p1 $0xEC700, s13;
	s5 =	sand.u32 @!p1 $0x4000, s5  }
0x5f: {  	s0 =	ssub.s32 @!p1 s0, s2;
	s2 =	smul.u32 @!p1 $0x30, s3;
	s3 =	rddreg [dreg:$0x4]  }
0x60: {  	s1 =	sand.u32 @!p1 $0x3FFFFFFF, s1;
	s3 =	sadd.s32 @!p1 s3, s4;
	s4 =	sand.u32 @!p1 $0x7, s0  }
0x61: {  	s0 =	sshrl.u32 @!p1 s0, $0x3;
	s2 =	sadd.s32 @!p1 s2, s3;
	s3 =	sshll.u32 @!p1 s4, $0x12  }
0x62: {  	s0 =	sadd.s32 @!p1 s0, s2;
	s2 =	sor.u32 @!p1 $0x400, s3;
	s3 =	simm.s32 @!p1 $0xC00  }
0x63: {  	[tilespmem:s5], [sflag:$0x1] =	stream.strided.gather @!p1 [hbm4b:s0+s2], s1, s3, s2, $0x38;
	[tilespmem:$0x10100] =	vst v63  }
0x64: {  	p1 =	seq.s32 s14, $0x0  }
0x65: {  	p2 =	sge.u32 @!p1 s14, s7  }
0x66: {  	p1 =	por p1, p2  }
.Ltmp2:
0x67: {  	_ = 	snop;
	(pc) =	sbr.rel @p1 .LBB1_15-.Ltmp2, $1  }
0x68: {  	_ =	sdelay $0x3  }
0x69: {  	[dreg:$0x11] =	wrdreg s17  }
0x6a: {  	[dreg:$0x10] =	wrdreg s16  }
0x6b: {  	[dreg:$0xf] =	wrdreg s15  }
0x6c: {  	[dreg:$0xd] =	wrdreg s13  }
0x6d: {  	[dreg:$0xc] =	wrdreg s12  }
0x6e: {  	[dreg:$0xb] =	wrdreg s11;
	p1 =	sgt.s32 s10, $0x3;
	s0 =	smov.u32 s10  }
0x6f: {  	s1 =	sshra.s32 s10, $0x1F;
	s25 =	ssub.s32 $0x0, s9;
	s2 =	sshra.s32 s9, $0x1F  }
0x70: {  	s3 =	smov.u32 s9;
	p2 =	sgt.s32 s8, $0x100;
	s27 =	ssub.s32 $0x0, s8  }
0x71: {  	s28 =	sshra.s32 s8, $0x1F;
	s0 =	simm.s32 @!p1 $0x3;
	s1 =	sand.u32 s1, s10  }
0x72: {  	p1 =	sgt.s32 s9, $0x4E50;
	s29 =	sand.u32 s27, s28;
	s0 =	ssub.s32 s0, s1  }
0x73: {  	s1 =	sand.u32 s25, s2;
	s3 =	simm.s32 @!p1 $0x4E50;
	s2 =	smov.u32 s8  }
0x74: {  	s4 =	sadd.s32 $0xFFFFFFFD, s0;
	[dreg:$0x13] =	wrdreg s1;
	s1 =	sadd.s32 s1, s3  }
0x75: {  	s5 =	ssub.s32 $0x4, s0;
	s2 =	simm.s32 @!p2 $0x100;
	p1 =	sgt.s32 s4, $0x0  }
0x76: {  	s26 =	sadd.s32 $0xFFFFB1B0, s1;
	s0 =	ssub.s32 $0x4ED0, s1;
	s1 =	sadd.s32 s29, s2  }
0x77: {  	[dreg:$0x8] =	wrdreg s8;
	s5 =	simm.s32 @p1 $0x0;
	s2 =	sadd.s32 $0xFFFFFF00, s1  }
0x78: {  	s1 =	ssub.s32 $0x180, s1;
	p1 =	sgt.s32 s2, $0x7F;
	s2 =	sadd.s32 $0x1, s10  }
0x79: {  	s3 =	sadd.s32 $0x80, s9;
	s1 =	simm.s32 @p1 $0x0;
	p1 =	slt.s32 s2, $0x4  }
0x7a: {  	p2 =	sgt.s32 s26, $0x7F;
	s2 =	simm.s32 @!p1 $0x4;
	p1 =	slt.s32 s3, $0x4ECA  }
0x7b: {  	s0 =	simm.s32 @p2 $0x0;
	s23 =	ssub.s32 s2, s10;
	s3 =	simm.s32 @!p1 $0x4ECA  }
0x7c: {  	s0 =	smul.u32 s5, s0;
	s24 =	ssub.s32 s3, s9;
	p1 =	slt.s32 s23, $0x1  }
0x7d: {  	[dreg:$0xa] =	wrdreg s10;
	p2 =	slt.s32 @!p1 s24, $0x1  }
0x7e: {  	[dreg:$0x9] =	wrdreg s9;
	s0 =	smul.u32 s1, s0;
	p2 =	por p1, p2  }
.Ltmp3:
0x7f: {  	[dreg:$0x14] =	wrdreg s29;
	(pc) =	sbr.rel @p2 .LBB1_14-.Ltmp3, $4  }
0x80: {  	s30 =	simm.s32 $0x1;
	[dreg:$0x12] =	wrdreg s5;
	s0 =	sand.u32 $0x3FFFFFFF, s0  }
0x81: {  	s31 =	sand.u32 $0x1, s14;
	_ =	swait.ge [sflag:s30], s0  }
0x82: {  	s0 =	ssub.s32 $0x0, s0;
	[dreg:$0xe] =	wrdreg s14;
	[sflag:s30] =	ssyncset.done $0x0  }
0x83: {  	[dreg:$0x15] =	wrdreg s31;
	[sflag:s30] =	ssyncadd.s32 s0  }
0x84: {  	s2 =	rddreg [dreg:$0x8]  }
0x85: {  	s0 =	sadd.s32 $0x80, s2  }
0x86: {  	p2 =	slt.s32 s0, $0x17E  }
0x87: {  	s1 =	simm.s32 $0x1;
	s0 =	simm.s32 @!p2 $0x17E  }
0x88: {  	s1 =	simm.s32 @!p0 $0x0;
	s0 =	ssub.s32 s0, s2  }
0x89: {  	s1 =	smul.u32 $0x10200, s1;
	s0 =	sadd.s32 $0xF, s0  }
0x8a: {  	s25 =	sshrl.u32 s0, $0x8  }
0x8b: {  	s4 =	sshrl.u32 s1, $0x2;
	s3 =	smul.u32 $0x20400, s25  }
.Ltmp4:
0x8c: {  	s29 =	sor.u32 $0x8000, s4;
	(pc) =	sbr.rel .LBB1_4-.Ltmp4, $4  }
0x8d: {  	s26 =	sand.u32 $0xFFFFFFF0, s0;
	s27 =	sand.u32 @!p1 $0xFFFFFF00, s0;
	s31 =	sshll.u32 s25, $0xB  }
0x8e: {  	p2 =	sge.s32 s27, s26;
	s1 =	sadd.s32 s1, s3;
	s3 =	rddreg [dreg:$0x15]  }
0x8f: {  	s28 =	sshll.u32 @!p1 s3, $0xE;
	s1 =	sshra.s32 s1, $0x2;
	p1 =	slt.s32 s0, $0x100  }
0x90: {  	s0 =	simm.s32 $0x0;
	s30 =	sadd.s32 $0x8000, s1;
	s1 =	simm.s32 $0x0  }
.LBB1_13:
0x91: {  	s0 =	sadd.s32 $0x1, s0  }
0x92: {  	p3 =	sne.s32 s0, s23  }
.Ltmp5:
0x93: {  	_ = 	snop;
	(pc) =	sbr.rel @!p3 .LBB1_14-.Ltmp5, $2  }
0x94: {  	_ =	sdelay $0x2  }
0x95: {  	s1 =	sadd.s32 $0x1, s1  }
.LBB1_4:
.Ltmp6:
0x96: {  	s2 =	sand.u32 $0x3, s1;
	(pc) =	sbr.rel .LBB1_5-.Ltmp6, $4  }
0x97: {  	s2 =	smul.u32 $0x204, s2  }
0x98: {  	s3 =	sshll.u32 s0, $0x10;
	s5 =	simm.s32 $0x0;
	s7 =	simm.s32 $0x0  }
0x99: {  	s6 =	simm.s32 $0x0;
	s3 =	sshra.s32 s3, $0x2;
	s4 =	sshrl.u32 s2, $0x2  }
0x9a: {  	s2 =	sadd.s32 s3, s28;
	s9 =	sadd.s32 s4, s29;
	s4 =	sadd.s32 s4, s30  }
.LBB1_12:
0x9b: {  	s6 =	sadd.s32 $0x1, s6  }
0x9c: {  	p3 =	sne.s32 s6, s24  }
.Ltmp7:
0x9d: {  	_ = 	snop;
	(pc) =	sbr.rel @!p3 .LBB1_13-.Ltmp7, $2  }
0x9e: {  	_ =	sdelay $0x2  }
0x9f: {  	s7 =	sadd.s32 $0x1, s7;
	s5 =	sadd.s32 $0x80, s5  }
.LBB1_5:
.Ltmp8:
0xa0: {  	(pc) =	sbr.rel @p1 .LBB1_9-.Ltmp8, $2  }
0xa1: {  	_ =	sdelay $0x2  }
0xa2: {  	s8 =	sand.u32 $0x7F, s7;
	s3 =	sshll.u32 s6, $0x7  }
0xa3: {  	s17 =	sand.u32 $0x380, s3  }
0xa4: {  	s18 =	sadd.s32 s17, s2  }
0xa5: {  	s16 =	simm.s32 $0x480;
	s19 =	simm.s32 $0x700;
	s20 =	simm.s32 $0x500;
	v0 =	vmov s18  }
0xa6: {  	s22 =	simm.s32 $0x580;
	s25 =	simm.s32 $0x600;
	s12 =	simm.s32 $0x680  }
0xa7: {  	s15 =	sadd.s32 $0x780, s5;
	p3 =	sgt.s32 s27, $0x100;
	s19 =	sand.u32 $0x3C00, s19  }
0xa8: {  	s17 =	simm.s32 $0x780;
	s19 =	sadd.s32 s3, s19;
	s18 =	sand.u32 $0x3C00, s16  }
0xa9: {  	s20 =	sand.u32 $0x3C00, s20;
	s19 =	sand.u32 $0x3C00, s19;
	s18 =	sadd.s32 s3, s18  }
0xaa: {  	s22 =	sand.u32 $0x3C00, s22;
	s20 =	sadd.s32 s3, s20;
	s18 =	sand.u32 $0x3C00, s18;
	v3 =	vld.idx.msk [tilespmem:v0+s19+$0x60 ss:$0x1], $0xffff  }
0xab: {  	s12 =	sand.u32 $0x3C00, s12;
	s22 =	sadd.s32 s3, s22;
	s11 =	sand.u32 $0x3C00, s20;
	v7 =	vld.idx.msk [tilespmem:v0+s18+$0x10 ss:$0x1], $0xffff  }
0xac: {  	s10 =	sand.u32 $0x3C00, s25;
	s12 =	sadd.s32 s3, s12;
	s14 =	sand.u32 $0x3C00, s22;
	v1 =	vld.idx.msk [tilespmem:v0+s11+$0x20 ss:$0x1], $0xffff  }
.Ltmp9:
0xad: {  	s13 =	sadd.s32 s3, s10;
	s12 =	sand.u32 $0x3C00, s12;
	v6 =	vld.idx.msk [tilespmem:v0+s14+$0x30 ss:$0x1], $0xffff;
	(pc) =	sbr.rel @!p3 .LBB1_8-.Ltmp9, $4  }
0xae: {  	s16 =	sadd.s32 $0xFFFFF880, s15;
	s17 =	sand.u32 $0x3C00, s17;
	s19 =	sand.u32 $0x3C00, s13;
	v2 =	vld.idx.msk [tilespmem:v0+s12+$0x50 ss:$0x1], $0xffff  }
0xaf: {  	s21 =	sadd.s32 s8, s9;
	s20 =	sand.u32 $0x3C00, s16;
	s17 =	sadd.s32 s3, s17;
	v4 =	vld.idx.msk [tilespmem:v0+s19+$0x40 ss:$0x1], $0xffff  }
0xb0: {  	s25 =	simm.s32 $0x100;
	s22 =	sadd.s32 $0xFFFFFC80, s15;
	s17 =	sand.u32 $0x3C00, s17;
	v5 =	vld.idx.msk [tilespmem:v0+s20+$0x10 ss:$0x1], $0xffff;
	[tilespmem:s21+$0x70E0 ss:$0x81] =	vst.msk $0xffff, v3  }
0xb1: {  	s18 =	simm.s32 $0xF80;
	s19 =	sand.u32 $0x3C00, s22;
	s22 =	smov.u32 s21;
	v3 =	vld.idx.msk [tilespmem:v0+s20+$0x0 ss:$0x1], $0xffff;
	[tilespmem:s21+$0x4890 ss:$0x81] =	vst.msk $0xffff, v7  }
.LBB1_7:
0xb2: {  	s12 =	sadd.s32 $0xFFFFFD00, s18;
	s10 =	sadd.s32 $0xFFFFFF80, s18;
	s25 =	sadd.s32 $0x100, s25;
	v7 =	vld.idx.msk [tilespmem:v0+s20+$0x20 ss:$0x1], $0xffff;
	[tilespmem:s21+$0x50A0 ss:$0x81] =	vst.msk $0xffff, v1  }
0xb3: {  	s11 =	sadd.s32 $0xFFFFFD80, s18;
	s10 =	sand.u32 $0x3C00, s10;
	p3 =	slt.s32 s25, s27;
	v1 =	vld.idx.msk [tilespmem:v0+s20+$0x30 ss:$0x1], $0xffff;
	[tilespmem:s21+$0x58B0 ss:$0x81] =	vst.msk $0xffff, v6  }
0xb4: {  	s16 =	sadd.s32 $0xFFFFFE00, s18;
	s13 =	sadd.s32 $0xFFFFFE80, s18;
	s10 =	sadd.s32 s3, s10;
	v6 =	vld.idx.msk [tilespmem:v0+s20+$0x40 ss:$0x1], $0xffff;
	[tilespmem:s21+$0x60C0 ss:$0x81] =	vst.msk $0xffff, v4  }
0xb5: {  	s15 =	sadd.s32 $0xFFFFFF00, s18;
	s12 =	sand.u32 $0x3C00, s12;
	s10 =	sand.u32 $0x3C00, s10;
	v4 =	vld.idx.msk [tilespmem:v0+s20+$0x50 ss:$0x1], $0xffff;
	[tilespmem:s21+$0x68D0 ss:$0x81] =	vst.msk $0xffff, v2  }
0xb6: {  	s11 =	sand.u32 $0x3C00, s11;
	s16 =	sand.u32 $0x3C00, s16;
	s13 =	sand.u32 $0x3C00, s13;
	v2 =	vld.idx.msk [tilespmem:v0+s10+$0x60 ss:$0x1], $0xffff;
	[tilespmem:s21+$0x0 ss:$0x81] =	vst.msk $0xffff, v3  }
0xb7: {  	s14 =	sand.u32 $0x3C00, s18;
	s15 =	sand.u32 $0x3C00, s15;
	s10 =	sadd.s32 s18, s5;
	[tilespmem:s21+$0x810 ss:$0x81] =	vst.msk $0xffff, v5;
	v3 =	vld.idx.msk [tilespmem:v0+s20+$0x60 ss:$0x1], $0xffff  }
0xb8: {  	s12 =	sadd.s32 s3, s12;
	s11 =	sadd.s32 s3, s11;
	s16 =	sadd.s32 s3, s16;
	[tilespmem:s21+$0x1020 ss:$0x81] =	vst.msk $0xffff, v7;
	v5 =	vld.idx.msk [tilespmem:v0+s20+$0x70 ss:$0x1], $0xffff  }
0xb9: {  	s13 =	sadd.s32 s3, s13;
	s15 =	sadd.s32 s3, s15;
	s20 =	sadd.s32 $0xFFFFF880, s10;
	[tilespmem:s21+$0x1830 ss:$0x81] =	vst.msk $0xffff, v1;
	v7 =	vld.idx.msk [tilespmem:v0+s19+$0x0 ss:$0x1], $0xffff  }
0xba: {  	s14 =	sadd.s32 s3, s14;
	s12 =	sand.u32 $0x3C00, s12;
	s10 =	sadd.s32 $0xFFFFFC80, s10;
	[tilespmem:s21+$0x2040 ss:$0x81] =	vst.msk $0xffff, v6;
	v8 =	vld.idx.msk [tilespmem:v0+s17+$0x70 ss:$0x1], $0xffff  }
0xbb: {  	s11 =	sand.u32 $0x3C00, s11;
	s21 =	sadd.s32 $0x8100, s21;
	v9 =	vld.idx.msk [tilespmem:v0+s12+$0x10 ss:$0x1], $0xffff;
	s12 =	sand.u32 $0x3C00, s16;
	[tilespmem:s22+$0x2850 ss:$0x81] =	vst.msk $0xffff, v4  }
0xbc: {  	s20 =	sand.u32 $0x3C00, s20;
	v1 =	vld.idx.msk [tilespmem:v0+s11+$0x20 ss:$0x1], $0xffff;
	s11 =	sand.u32 $0x3C00, s13;
	s13 =	sand.u32 $0x3C00, s15;
	[tilespmem:s21+$0x70E0 ss:$0x81] =	vst.msk $0xffff, v2  }
.Ltmp10:
0xbd: {  	s19 =	sand.u32 $0x3C00, s10;
	s17 =	sand.u32 $0x3C00, s14;
	v6 =	vld.idx.msk [tilespmem:v0+s12+$0x30 ss:$0x1], $0xffff;
	[tilespmem:s22+$0x3060 ss:$0x81] =	vst.msk $0xffff, v3;
	(pc) =	sbr.rel @p3 .LBB1_7-.Ltmp10, $4  }
0xbe: {  	v4 =	vld.idx.msk [tilespmem:v0+s11+$0x40 ss:$0x1], $0xffff;
	[tilespmem:s22+$0x3870 ss:$0x81] =	vst.msk $0xffff, v5  }
0xbf: {  	v2 =	vld.idx.msk [tilespmem:v0+s13+$0x50 ss:$0x1], $0xffff;
	[tilespmem:s22+$0x4080 ss:$0x81] =	vst.msk $0xffff, v7  }
0xc0: {  	v3 =	vld.idx.msk [tilespmem:v0+s20+$0x0 ss:$0x1], $0xffff;
	[tilespmem:s22+$0x78F0 ss:$0x81] =	vst.msk $0xffff, v8;
	s22 =	smov.u32 s21  }
0xc1: {  	s18 =	sadd.s32 $0x800, s18;
	v5 =	vld.idx.msk [tilespmem:v0+s20+$0x10 ss:$0x1], $0xffff;
	[tilespmem:s21+$0x4890 ss:$0x81] =	vst.msk $0xffff, v9  }
.LBB1_8:
0xc2: {  	_ =	sdelay $0x2  }
0xc3: {  	[tilespmem:s21+$0x50A0 ss:$0x81] =	vst.msk $0xffff, v1  }
0xc4: {  	v56 =	vld.idx.msk [tilespmem:v0+s20+$0x20 ss:$0x1], $0xffff;
	[tilespmem:s21+$0x58B0 ss:$0x81] =	vst.msk $0xffff, v6  }
0xc5: {  	v57 =	vld.idx.msk [tilespmem:v0+s20+$0x30 ss:$0x1], $0xffff;
	[tilespmem:s21+$0x60C0 ss:$0x81] =	vst.msk $0xffff, v4  }
0xc6: {  	v58 =	vld.idx.msk [tilespmem:v0+s20+$0x40 ss:$0x1], $0xffff;
	[tilespmem:s21+$0x68D0 ss:$0x81] =	vst.msk $0xffff, v2  }
0xc7: {  	v59 =	vld.idx.msk [tilespmem:v0+s20+$0x50 ss:$0x1], $0xffff;
	[tilespmem:s21+$0x0 ss:$0x81] =	vst.msk $0xffff, v3  }
0xc8: {  	v60 =	vld.idx.msk [tilespmem:v0+s20+$0x60 ss:$0x1], $0xffff;
	[tilespmem:s21+$0x810 ss:$0x81] =	vst.msk $0xffff, v5  }
0xc9: {  	v61 =	vld.idx.msk [tilespmem:v0+s20+$0x70 ss:$0x1], $0xffff;
	[tilespmem:s21+$0x1020 ss:$0x81] =	vst.msk $0xffff, v56  }
0xca: {  	v62 =	vld.idx.msk [tilespmem:v0+s19+$0x0 ss:$0x1], $0xffff;
	[tilespmem:s21+$0x1830 ss:$0x81] =	vst.msk $0xffff, v57  }
0xcb: {  	v63 =	vld.idx.msk [tilespmem:v0+s17+$0x70 ss:$0x1], $0xffff;
	[tilespmem:s21+$0x2040 ss:$0x81] =	vst.msk $0xffff, v58  }
0xcc: {  	[tilespmem:s22+$0x2850 ss:$0x81] =	vst.msk $0xffff, v59  }
0xcd: {  	[tilespmem:s22+$0x3060 ss:$0x81] =	vst.msk $0xffff, v60  }
0xce: {  	[tilespmem:s22+$0x3870 ss:$0x81] =	vst.msk $0xffff, v61  }
0xcf: {  	[tilespmem:s22+$0x4080 ss:$0x81] =	vst.msk $0xffff, v62  }
0xd0: {  	[tilespmem:s22+$0x78F0 ss:$0x81] =	vst.msk $0xffff, v63  }
.LBB1_9:
.Ltmp11:
0xd1: {  	(pc) =	sbr.rel @p2 .LBB1_12-.Ltmp11, $1  }
0xd2: {  	_ =	sdelay $0x3  }
0xd3: {  	s17 =	sand.u32 $0x380, s3;
	s8 =	sadd.s32 s8, s4  }
0xd4: {  	s18 =	smov.u32 s31;
	s19 =	smov.u32 s27;
	s17 =	sadd.s32 s17, s2  }
.LBB1_11:
0xd5: {  	s10 =	sand.u32 $0x3C00, s18  }
0xd6: {  	s10 =	sadd.s32 s3, s10  }
0xd7: {  	s10 =	sand.u32 $0x3C00, s10  }
0xd8: {  	s11 =	sand.u32 $0x70, s19;
	s10 =	sadd.s32 s10, s17  }
0xd9: {  	s19 =	sadd.s32 $0x10, s19;
	s10 =	sadd.s32 s11, s10  }
0xda: {  	p3 =	slt.s32 s19, s26;
	v0 =	vld [tilespmem:s10+$0x0]  }
.Ltmp12:
0xdb: {  	_ = 	snop;
	(pc) =	sbr.rel @p3 .LBB1_11-.Ltmp12, $2  }
0xdc: {  	_ =	sdelay $0x2  }
0xdd: {  	s18 =	sadd.s32 $0x80, s18;
	[tilespmem:s8+$0x0 ss:$0x81] =	vst.msk $0xffff, v0;
	s8 =	sadd.s32 $0x810, s8  }
.Ltmp13:
0xde: {  	_ = 	snop;
	(pc) =	sbr.rel .LBB1_12-.Ltmp13, $1  }
0xdf: {  	_ =	sdelay $0x3  }
.LBB1_16:
0xe0: {  	_ =	sfence.sel $0x180000  }
0xe1: {  	s0 =	simm.s32 $0x1;
	[bflag:$0x0] =	sbarrier.arrive $0xFFFF  }
0xe2: {  	s30 =	simm.s32 $0x2;
	[sflag:s0] =	ssyncpa.u1 $0x1  }
0xe3: {  	[sflag:s30] =	ssyncpa.u1 $0x1  }
0xe4: {  	_ =	strace $0x9000004A  }
0xe5: {  	s31 =	stileid.u32;
	[bflag:$0x2] =	sbarrier.arrive $0xFFFF  }
0xe6: {  	p0 =	sne.s32 s31, $0x0;
	s0 =	rddreg [dreg:$0x2]  }
0xe7: {  	s0 =	sadd.s32 @!p0 $0x100000, s0  }
0xe8: {  	[sflag:s0] =	ssyncadd.tile.s32 @!p0 $0x1;
	_ =	shalt  }
.Lfunc_end1:
_tile_overlayer_lowered:
.L_overlay_start_2:
0xe9: {  	(tag) =	ssettag $0x2  }
0xea: {  	s0 =	rddreg [dreg:$0x0];
	s2 =	stileid.u32  }
0xeb: {  	s1 =	rddreg [dreg:$0x1];
	p0 =	sne.s32 s2, $0x0  }
0xec: {  	s3 =	rddreg [dreg:$0x2];
	[bflag:$0x3] =	sbarrier.arrive $0xFFFF;
	s2 =	simm.s32 @!p0 $0x1C01  }
0xed: {  	[timem:s3], [sflag:s2] =	dma.local @!p0 [hbm:s0], s1  }
0xee: {  	s0 =	simm.s32 @!p0 $0x1  }
0xef: {  	_ =	swait.ge @!p0 [sflag:s0], s1  }
0xf0: {  	s1 =	ssub.s32 @!p0 $0x0, s1;
	[sflag:s0] =	ssyncset.done @!p0 $0x0  }
0xf1: {  	[sflag:s0] =	ssyncadd.s32 @!p0 s1  }
0xf2: {  	[bflag:$0x3] =	sbarrier.arrive $0xFFFF  }
0xf3: {  	_ =	shalt  }

</sc_bundles>
